<compile_context>
chip_gen: v7x
topology: tpu7x:2x2x1
jax: 0.10.2.dev20260603
libtpu: 0.0.44.dev20260713+nightly
codegen_flags: <defaults>
</compile_context>

<pallas_src>
import functools

import jax
import jax.numpy as jnp
from jax import lax
from jax.experimental import pallas as pl
from jax.experimental.pallas import tpu as pltpu
from jax.experimental.pallas import tpu_sc as plsc


@functools.lru_cache(maxsize=None)
def _build_gather(S, B, V, D, C):
    info = plsc.get_sparse_core_info()
    NC, NS, L = info.num_cores, info.num_subcores, info.num_lanes
    NW = NC * NS
    assert B % (NW * C) == 0 and C % 128 == 0 and D == 32 and L == 16
    CB = C // 128
    DB = D // 8

    mesh = plsc.VectorSubcoreMesh(core_axis_name="c", subcore_axis_name="s")

    @functools.partial(
        pl.kernel,
        mesh=mesh,
        out_type=jax.ShapeDtypeStruct((S, DB, B // 128, 8, 128), jnp.float32),
        scratch_types=[
            pltpu.VMEM((S, C), jnp.int32),
            pltpu.VMEM((2 * C, D), jnp.float32),
            pltpu.VMEM((DB, CB, 8, 128), jnp.float32),
            pltpu.SemaphoreType.DMA((2,)),
            pltpu.SemaphoreType.DMA,
        ],
        compiler_params=pltpu.CompilerParams(
            use_tc_tiling_on_sc=False, needs_layout_passes=False
        ),
    )
    def gather_kernel(idx_hbm, table_hbm, out_hbm, islab, rows_v, obuf, gsem, osem):
        wid = lax.axis_index("s") * NC + lax.axis_index("c")
        b0 = wid * C
        lane = lax.iota(jnp.int32, L)

        pltpu.sync_copy(idx_hbm.at[pl.ds(0, S), pl.ds(b0, C)], islab)

        pltpu.async_copy(
            table_hbm.at[islab.at[0]], rows_v.at[pl.ds(0, C)], gsem.at[0]
        )

        def body(s, carry):
            p = lax.rem(s, 2)
            q = 1 - p

            @pl.when(s + 1 < S)
            def _():
                pltpu.async_copy(
                    table_hbm.at[islab.at[s + 1]],
                    rows_v.at[pl.ds(q * C, C)],
                    gsem.at[q],
                )

            pltpu.make_async_copy(
                table_hbm.at[islab.at[s]], rows_v.at[pl.ds(p * C, C)], gsem.at[p]
            ).wait()

            @pl.when(s > 0)
            def _():
                for dblk in range(DB):
                    pltpu.make_async_copy(
                        obuf.at[dblk],
                        out_hbm.at[0, dblk, pl.ds(wid * CB, CB)],
                        osem,
                    ).wait()

            pbase = p * C

            @plsc.parallel_loop(0, DB * CB * 8, unroll=4)
            def trans(u):
                dblk = u // (CB * 8)
                rem = lax.rem(u, CB * 8)
                bblk = rem // 8
                dsub = lax.rem(rem, 8)
                rbase = pbase + bblk * 128 + lane
                dvec = jnp.full((L,), dblk * 8 + dsub, jnp.int32)
                for grp in range(128 // L):
                    rvec = rbase + grp * L
                    vals = plsc.load_gather(rows_v, [rvec, dvec])
                    obuf[dblk, bblk, dsub, pl.ds(grp * L, L)] = vals

            for dblk in range(DB):
                pltpu.async_copy(
                    obuf.at[dblk],
                    out_hbm.at[s, dblk, pl.ds(wid * CB, CB)],
                    osem,
                )
            return carry

        lax.fori_loop(0, S, body, 0)

        for dblk in range(DB):
            pltpu.make_async_copy(
                obuf.at[dblk],
                out_hbm.at[0, dblk, pl.ds(wid * CB, CB)],
                osem,
            ).wait()

    return gather_kernel


def kernel(inputs, embeddings):
    B, S = inputs.shape
    V, D = embeddings.shape
    Sp = (S + 7) // 8 * 8
    idx_t = jnp.transpose(
        jnp.pad(inputs.astype(jnp.int32), ((0, 0), (0, Sp - S)))
    )
    out5 = _build_gather(S, B, V, D, 512)(idx_t, embeddings)
    out = jnp.transpose(out5, (2, 4, 0, 1, 3)).reshape(B, S, D)
    return out

# --- scband reference (transcript-rebuilt; emitter-appended) ---
"""Pipeline reference for scband-on-device-embedding-2138893714050 (READ-ONLY COPY).

The authoritative reference and input builder live on the scoring server;
editing this copy changes nothing except your own understanding.
"""

import jax, jax.numpy as jnp
import numpy as np

VOCAB = 1000000
EMBED = 32

def setup_inputs(seed: int = 0) -> dict:
    key = jax.random.key(seed)
    k1, k2 = jax.random.split(key)
    inputs = jax.random.randint(k1, (16384, 50), 0, VOCAB, dtype=jnp.int64 if jax.config.jax_enable_x64 else jnp.int32)
    # glorot_uniform for [VOCAB, EMBED]
    limit = np.sqrt(6.0 / (VOCAB + EMBED))
    embeddings = jax.random.uniform(k2, (VOCAB, EMBED), dtype=jnp.float32, minval=-limit, maxval=limit)
    return {"inputs": inputs, "embeddings": embeddings}

def reference(inputs, embeddings):
    # Faithful translation of OnDeviceEmbedding.call with use_one_hot=False
    flat_inputs = jnp.reshape(inputs, (-1,))
    emb = jnp.take(embeddings, flat_inputs, axis=0)
    out = jnp.reshape(emb, inputs.shape + (embeddings.shape[1],))
    return out

if __name__ == "__main__":
    import jax
    _d = setup_inputs()
    print(jax.jit(kernel)(*tuple(_d.values())))

</pallas_src>

<mosaic_0001>
#map = affine_map<(d0, d1) -> (0, 0)>
#map1 = affine_map<(d0, d1) -> (0, 0, 0, 0, 0)>
module attributes {stable_mosaic.version = 14 : i64} {
  func.func @gather_kernel(%arg0: i32, %arg1: i32, %arg2: memref<56x16384xi32, #tpu.memory_space<hbm>>, %arg3: memref<1000000x32xf32, #tpu.memory_space<hbm>>, %arg4: memref<50x4x128x8x128xf32, #tpu.memory_space<hbm>>, %arg5: memref<50x512xi32, #tpu.memory_space<vmem>>, %arg6: memref<1024x32xf32, #tpu.memory_space<vmem>>, %arg7: memref<4x4x8x128xf32, #tpu.memory_space<vmem>>, %arg8: memref<2x!tpu.dma_semaphore, #tpu.memory_space<semaphore_mem>>, %arg9: memref<!tpu.dma_semaphore, #tpu.memory_space<semaphore_mem>>) attributes {dimension_semantics = [#tpu.dimension_semantics<core_parallel>, #tpu.dimension_semantics<subcore_parallel>], iteration_bounds = array<i64: 2, 16>, scalar_prefetch = 0 : i64, scratch_operands = 5 : i64, tpu.core_type = #tpu.core_type<sc_vector_subcore>, window_params = [{transform_indices = #map}, {transform_indices = #map}, {transform_indices = #map1}]} {
    %mul3A = arith.constant 2 : i32
    %mul3A_0 = arith.muli %arg1, %mul3A : i32
    %add3A = arith.addi %mul3A_0, %arg0 : i32
    %mul3A_1 = arith.constant 512 : i32
    %mul3A_2 = arith.muli %add3A, %mul3A_1 : i32
    %iota3A = tpu.iota {dimensions = array<i32: 0>} : vector<16xi32>
    "tpu.region"() ({
      %run_scoped3A = tpu.sem_alloc : memref<!tpu.dma_semaphore, #tpu.memory_space<semaphore_mem>>
      %dma_start3A_111 = arith.constant 0 : i32
      %dma_start3A_112 = tpu.memref_slice %arg2[%dma_start3A_111, %mul3A_2] : memref<56x16384xi32, #tpu.memory_space<hbm>> -> memref<50x512xi32, #tpu.memory_space<hbm>>
      %dma_start3A_113 = arith.constant 0 : i32
      %dma_start3A_114 = tpu.memref_slice %arg2[%dma_start3A_113, %mul3A_2] : memref<56x16384xi32, #tpu.memory_space<hbm>> -> memref<50x512xi32, #tpu.memory_space<hbm>>
      tpu.enqueue_dma source(%dma_start3A_114 : memref<50x512xi32, #tpu.memory_space<hbm>>) target(%arg5 : memref<50x512xi32, #tpu.memory_space<vmem>>) target_semaphore(%run_scoped3A : memref<!tpu.dma_semaphore, #tpu.memory_space<semaphore_mem>>)
      %dma_wait3A_115 = arith.constant 0 : i32
      %dma_wait3A_116 = tpu.memref_slice %arg2[%dma_wait3A_115, %mul3A_2] : memref<56x16384xi32, #tpu.memory_space<hbm>> -> memref<50x512xi32, #tpu.memory_space<hbm>>
      %dma_wait3A_117 = arith.constant 0 : i32
      %dma_wait3A_118 = tpu.memref_slice %arg2[%dma_wait3A_117, %mul3A_2] : memref<56x16384xi32, #tpu.memory_space<hbm>> -> memref<50x512xi32, #tpu.memory_space<hbm>>
      tpu.wait_dma2 semaphore(%run_scoped3A : memref<!tpu.dma_semaphore, #tpu.memory_space<semaphore_mem>>) src(%dma_wait3A_118 : memref<50x512xi32, #tpu.memory_space<hbm>>) dst(%arg5 : memref<50x512xi32, #tpu.memory_space<vmem>>)
      tpu.yield
    }) : () -> ()
    %dma_start3A = arith.constant 0 : i32
    %dma_start3A_3 = arith.constant 0 : i32
    %dma_start3A_4 = arith.constant 0 : i32
    %dma_start3A_5 = arith.constant 0 : i32
    %dma_start3A_6 = tpu.memref_slice %arg6[%dma_start3A_4, %dma_start3A_5] : memref<1024x32xf32, #tpu.memory_space<vmem>> -> memref<512x32xf32, #tpu.memory_space<vmem>>
    %dma_start3A_7 = arith.constant 0 : i32
    %dma_start3A_8 = tpu.memref_slice %arg5[%dma_start3A, %dma_start3A_7] : memref<50x512xi32, #tpu.memory_space<vmem>> -> memref<1x512xi32, #tpu.memory_space<vmem>>
    %dma_start3A_9 = tpu.memref_squeeze %dma_start3A_8 : memref<1x512xi32, #tpu.memory_space<vmem>> -> memref<512xi32, #tpu.memory_space<vmem>>
    %dma_start3A_10 = arith.constant 0 : i32
    %dma_start3A_11 = arith.constant 0 : i32
    %dma_start3A_12 = tpu.memref_slice %arg3[%dma_start3A_10, %dma_start3A_11] : memref<1000000x32xf32, #tpu.memory_space<hbm>> -> memref<1000000x32xf32, #tpu.memory_space<hbm>>
    %dma_start3A_13 = tpu.memref_slice %arg8[%dma_start3A_3] : memref<2x!tpu.dma_semaphore, #tpu.memory_space<semaphore_mem>> -> memref<1x!tpu.dma_semaphore, #tpu.memory_space<semaphore_mem>>
    %dma_start3A_14 = tpu.memref_squeeze %dma_start3A_13 : memref<1x!tpu.dma_semaphore, #tpu.memory_space<semaphore_mem>> -> memref<!tpu.dma_semaphore, #tpu.memory_space<semaphore_mem>>
    tpu.enqueue_indirect_dma source(%dma_start3A_12 : memref<1000000x32xf32, #tpu.memory_space<hbm>>) target(%dma_start3A_6 : memref<512x32xf32, #tpu.memory_space<vmem>>) offsets(%dma_start3A_9 : memref<512xi32, #tpu.memory_space<vmem>>) semaphore(%dma_start3A_14 : memref<!tpu.dma_semaphore, #tpu.memory_space<semaphore_mem>>)
    %scan3A = arith.constant 0 : i32
    %scan3A_15 = arith.constant 0 : i32
    %scan3A_16 = arith.constant 50 : i32
    %scan3A_17 = arith.addi %scan3A_15, %scan3A_16 : i32
    %scan3A_18 = arith.constant 1 : i32
    scf.for %scan3A_111 = %scan3A_15 to %scan3A_17 step %scan3A_18  : i32 {
      %rem3A = arith.constant 2 : i32
      %rem3A_112 = arith.remsi %scan3A_111, %rem3A : i32
      %sub3A = arith.constant 1 : i32
      %sub3A_113 = arith.subi %sub3A, %rem3A_112 : i32
      %add3A_114 = arith.constant 1 : i32
      %add3A_115 = arith.addi %scan3A_111, %add3A_114 : i32
      %lt3A = arith.constant 50 : i32
      %lt3A_116 = arith.cmpi slt, %add3A_115, %lt3A : i32
      %convert_element_type3A = arith.extui %lt3A_116 : i1 to i32
      %cond3A = arith.constant 0 : i32
      %cond3A_117 = arith.cmpi ne, %convert_element_type3A, %cond3A : i32
      scf.if %cond3A_117 {
        %add3A_226 = arith.constant 1 : i32
        %add3A_227 = arith.addi %scan3A_111, %add3A_226 : i32
        %mul3A_228 = arith.constant 512 : i32
        %mul3A_229 = arith.muli %sub3A_113, %mul3A_228 : i32
        %dma_start3A_230 = arith.constant 0 : i32
        %dma_start3A_231 = tpu.memref_slice %arg6[%mul3A_229, %dma_start3A_230] : memref<1024x32xf32, #tpu.memory_space<vmem>> -> memref<512x32xf32, #tpu.memory_space<vmem>>
        %dma_start3A_232 = arith.constant 0 : i32
        %dma_start3A_233 = tpu.memref_slice %arg5[%add3A_227, %dma_start3A_232] : memref<50x512xi32, #tpu.memory_space<vmem>> -> memref<1x512xi32, #tpu.memory_space<vmem>>
        %dma_start3A_234 = tpu.memref_squeeze %dma_start3A_233 : memref<1x512xi32, #tpu.memory_space<vmem>> -> memref<512xi32, #tpu.memory_space<vmem>>
        %dma_start3A_235 = arith.constant 0 : i32
        %dma_start3A_236 = arith.constant 0 : i32
        %dma_start3A_237 = tpu.memref_slice %arg3[%dma_start3A_235, %dma_start3A_236] : memref<1000000x32xf32, #tpu.memory_space<hbm>> -> memref<1000000x32xf32, #tpu.memory_space<hbm>>
        %dma_start3A_238 = tpu.memref_slice %arg8[%sub3A_113] : memref<2x!tpu.dma_semaphore, #tpu.memory_space<semaphore_mem>> -> memref<1x!tpu.dma_semaphore, #tpu.memory_space<semaphore_mem>>
        %dma_start3A_239 = tpu.memref_squeeze %dma_start3A_238 : memref<1x!tpu.dma_semaphore, #tpu.memory_space<semaphore_mem>> -> memref<!tpu.dma_semaphore, #tpu.memory_space<semaphore_mem>>
        tpu.enqueue_indirect_dma source(%dma_start3A_237 : memref<1000000x32xf32, #tpu.memory_space<hbm>>) target(%dma_start3A_231 : memref<512x32xf32, #tpu.memory_space<vmem>>) offsets(%dma_start3A_234 : memref<512xi32, #tpu.memory_space<vmem>>) semaphore(%dma_start3A_239 : memref<!tpu.dma_semaphore, #tpu.memory_space<semaphore_mem>>)
      } else {
      }
      %mul3A_118 = arith.constant 512 : i32
      %mul3A_119 = arith.muli %rem3A_112, %mul3A_118 : i32
      %dma_wait3A_120 = arith.constant 0 : i32
      %dma_wait3A_121 = tpu.memref_slice %arg6[%mul3A_119, %dma_wait3A_120] : memref<1024x32xf32, #tpu.memory_space<vmem>> -> memref<512x32xf32, #tpu.memory_space<vmem>>
      %dma_wait3A_122 = arith.constant 0 : i32
      %dma_wait3A_123 = tpu.memref_slice %arg5[%scan3A_111, %dma_wait3A_122] : memref<50x512xi32, #tpu.memory_space<vmem>> -> memref<1x512xi32, #tpu.memory_space<vmem>>
      %dma_wait3A_124 = tpu.memref_squeeze %dma_wait3A_123 : memref<1x512xi32, #tpu.memory_space<vmem>> -> memref<512xi32, #tpu.memory_space<vmem>>
      %dma_wait3A_125 = arith.constant 0 : i32
      %dma_wait3A_126 = arith.constant 0 : i32
      %dma_wait3A_127 = tpu.memref_slice %arg3[%dma_wait3A_125, %dma_wait3A_126] : memref<1000000x32xf32, #tpu.memory_space<hbm>> -> memref<1000000x32xf32, #tpu.memory_space<hbm>>
      %dma_wait3A_128 = tpu.memref_slice %arg8[%rem3A_112] : memref<2x!tpu.dma_semaphore, #tpu.memory_space<semaphore_mem>> -> memref<1x!tpu.dma_semaphore, #tpu.memory_space<semaphore_mem>>
      %dma_wait3A_129 = tpu.memref_squeeze %dma_wait3A_128 : memref<1x!tpu.dma_semaphore, #tpu.memory_space<semaphore_mem>> -> memref<!tpu.dma_semaphore, #tpu.memory_space<semaphore_mem>>
      tpu.wait_indirect_dma semaphore(%dma_wait3A_129 : memref<!tpu.dma_semaphore, #tpu.memory_space<semaphore_mem>>) src(%dma_wait3A_127 : memref<1000000x32xf32, #tpu.memory_space<hbm>>) dst(%dma_wait3A_121 : memref<512x32xf32, #tpu.memory_space<vmem>>)
      %gt3A = arith.constant 0 : i32
      %gt3A_130 = arith.cmpi sgt, %scan3A_111, %gt3A : i32
      %convert_element_type3A_131 = arith.extui %gt3A_130 : i1 to i32
      %cond3A_132 = arith.constant 0 : i32
      %cond3A_133 = arith.cmpi ne, %convert_element_type3A_131, %cond3A_132 : i32
      scf.if %cond3A_133 {
        %mul3A_226 = arith.constant 4 : i32
        %mul3A_227 = arith.muli %add3A, %mul3A_226 : i32
        %dma_wait3A_228 = arith.constant 0 : i32
        %dma_wait3A_229 = arith.constant 0 : i32
        %dma_wait3A_230 = arith.constant 0 : i32
        %dma_wait3A_231 = arith.constant 0 : i32
        %dma_wait3A_232 = arith.constant 0 : i32
        %dma_wait3A_233 = arith.constant 0 : i32
        %dma_wait3A_234 = tpu.memref_slice %arg7[%dma_wait3A_228, %dma_wait3A_231, %dma_wait3A_232, %dma_wait3A_233] : memref<4x4x8x128xf32, #tpu.memory_space<vmem>> -> memref<1x4x8x128xf32, #tpu.memory_space<vmem>>
        %dma_wait3A_235 = tpu.memref_squeeze %dma_wait3A_234 : memref<1x4x8x128xf32, #tpu.memory_space<vmem>> -> memref<4x8x128xf32, #tpu.memory_space<vmem>>
        %dma_wait3A_236 = arith.constant 0 : i32
        %dma_wait3A_237 = arith.constant 0 : i32
        %dma_wait3A_238 = tpu.memref_slice %arg4[%dma_wait3A_229, %dma_wait3A_230, %mul3A_227, %dma_wait3A_236, %dma_wait3A_237] : memref<50x4x128x8x128xf32, #tpu.memory_space<hbm>> -> memref<1x1x4x8x128xf32, #tpu.memory_space<hbm>>
        %dma_wait3A_239 = tpu.memref_squeeze %dma_wait3A_238 : memref<1x1x4x8x128xf32, #tpu.memory_space<hbm>> -> memref<4x8x128xf32, #tpu.memory_space<hbm>>
        %dma_wait3A_240 = arith.constant 0 : i32
        %dma_wait3A_241 = arith.constant 0 : i32
        %dma_wait3A_242 = tpu.memref_slice %arg4[%dma_wait3A_229, %dma_wait3A_230, %mul3A_227, %dma_wait3A_240, %dma_wait3A_241] : memref<50x4x128x8x128xf32, #tpu.memory_space<hbm>> -> memref<1x1x4x8x128xf32, #tpu.memory_space<hbm>>
        %dma_wait3A_243 = tpu.memref_squeeze %dma_wait3A_242 : memref<1x1x4x8x128xf32, #tpu.memory_space<hbm>> -> memref<4x8x128xf32, #tpu.memory_space<hbm>>
        %dma_wait3A_244 = arith.constant 0 : i32
        %dma_wait3A_245 = arith.constant 0 : i32
        %dma_wait3A_246 = arith.constant 0 : i32
        %dma_wait3A_247 = tpu.memref_slice %arg7[%dma_wait3A_228, %dma_wait3A_244, %dma_wait3A_245, %dma_wait3A_246] : memref<4x4x8x128xf32, #tpu.memory_space<vmem>> -> memref<1x4x8x128xf32, #tpu.memory_space<vmem>>
        %dma_wait3A_248 = tpu.memref_squeeze %dma_wait3A_247 : memref<1x4x8x128xf32, #tpu.memory_space<vmem>> -> memref<4x8x128xf32, #tpu.memory_space<vmem>>
        tpu.wait_dma2 semaphore(%arg9 : memref<!tpu.dma_semaphore, #tpu.memory_space<semaphore_mem>>) src(%dma_wait3A_248 : memref<4x8x128xf32, #tpu.memory_space<vmem>>) dst(%dma_wait3A_243 : memref<4x8x128xf32, #tpu.memory_space<hbm>>)
        %mul3A_249 = arith.constant 4 : i32
        %mul3A_250 = arith.muli %add3A, %mul3A_249 : i32
        %dma_wait3A_251 = arith.constant 1 : i32
        %dma_wait3A_252 = arith.constant 0 : i32
        %dma_wait3A_253 = arith.constant 1 : i32
        %dma_wait3A_254 = arith.constant 0 : i32
        %dma_wait3A_255 = arith.constant 0 : i32
        %dma_wait3A_256 = arith.constant 0 : i32
        %dma_wait3A_257 = tpu.memref_slice %arg7[%dma_wait3A_251, %dma_wait3A_254, %dma_wait3A_255, %dma_wait3A_256] : memref<4x4x8x128xf32, #tpu.memory_space<vmem>> -> memref<1x4x8x128xf32, #tpu.memory_space<vmem>>
        %dma_wait3A_258 = tpu.memref_squeeze %dma_wait3A_257 : memref<1x4x8x128xf32, #tpu.memory_space<vmem>> -> memref<4x8x128xf32, #tpu.memory_space<vmem>>
        %dma_wait3A_259 = arith.constant 0 : i32
        %dma_wait3A_260 = arith.constant 0 : i32
        %dma_wait3A_261 = tpu.memref_slice %arg4[%dma_wait3A_252, %dma_wait3A_253, %mul3A_250, %dma_wait3A_259, %dma_wait3A_260] : memref<50x4x128x8x128xf32, #tpu.memory_space<hbm>> -> memref<1x1x4x8x128xf32, #tpu.memory_space<hbm>>
        %dma_wait3A_262 = tpu.memref_squeeze %dma_wait3A_261 : memref<1x1x4x8x128xf32, #tpu.memory_space<hbm>> -> memref<4x8x128xf32, #tpu.memory_space<hbm>>
        %dma_wait3A_263 = arith.constant 0 : i32
        %dma_wait3A_264 = arith.constant 0 : i32
        %dma_wait3A_265 = tpu.memref_slice %arg4[%dma_wait3A_252, %dma_wait3A_253, %mul3A_250, %dma_wait3A_263, %dma_wait3A_264] : memref<50x4x128x8x128xf32, #tpu.memory_space<hbm>> -> memref<1x1x4x8x128xf32, #tpu.memory_space<hbm>>
        %dma_wait3A_266 = tpu.memref_squeeze %dma_wait3A_265 : memref<1x1x4x8x128xf32, #tpu.memory_space<hbm>> -> memref<4x8x128xf32, #tpu.memory_space<hbm>>
        %dma_wait3A_267 = arith.constant 0 : i32
        %dma_wait3A_268 = arith.constant 0 : i32
        %dma_wait3A_269 = arith.constant 0 : i32
        %dma_wait3A_270 = tpu.memref_slice %arg7[%dma_wait3A_251, %dma_wait3A_267, %dma_wait3A_268, %dma_wait3A_269] : memref<4x4x8x128xf32, #tpu.memory_space<vmem>> -> memref<1x4x8x128xf32, #tpu.memory_space<vmem>>
        %dma_wait3A_271 = tpu.memref_squeeze %dma_wait3A_270 : memref<1x4x8x128xf32, #tpu.memory_space<vmem>> -> memref<4x8x128xf32, #tpu.memory_space<vmem>>
        tpu.wait_dma2 semaphore(%arg9 : memref<!tpu.dma_semaphore, #tpu.memory_space<semaphore_mem>>) src(%dma_wait3A_271 : memref<4x8x128xf32, #tpu.memory_space<vmem>>) dst(%dma_wait3A_266 : memref<4x8x128xf32, #tpu.memory_space<hbm>>)
        %mul3A_272 = arith.constant 4 : i32
        %mul3A_273 = arith.muli %add3A, %mul3A_272 : i32
        %dma_wait3A_274 = arith.constant 2 : i32
        %dma_wait3A_275 = arith.constant 0 : i32
        %dma_wait3A_276 = arith.constant 2 : i32
        %dma_wait3A_277 = arith.constant 0 : i32
        %dma_wait3A_278 = arith.constant 0 : i32
        %dma_wait3A_279 = arith.constant 0 : i32
        %dma_wait3A_280 = tpu.memref_slice %arg7[%dma_wait3A_274, %dma_wait3A_277, %dma_wait3A_278, %dma_wait3A_279] : memref<4x4x8x128xf32, #tpu.memory_space<vmem>> -> memref<1x4x8x128xf32, #tpu.memory_space<vmem>>
        %dma_wait3A_281 = tpu.memref_squeeze %dma_wait3A_280 : memref<1x4x8x128xf32, #tpu.memory_space<vmem>> -> memref<4x8x128xf32, #tpu.memory_space<vmem>>
        %dma_wait3A_282 = arith.constant 0 : i32
        %dma_wait3A_283 = arith.constant 0 : i32
        %dma_wait3A_284 = tpu.memref_slice %arg4[%dma_wait3A_275, %dma_wait3A_276, %mul3A_273, %dma_wait3A_282, %dma_wait3A_283] : memref<50x4x128x8x128xf32, #tpu.memory_space<hbm>> -> memref<1x1x4x8x128xf32, #tpu.memory_space<hbm>>
        %dma_wait3A_285 = tpu.memref_squeeze %dma_wait3A_284 : memref<1x1x4x8x128xf32, #tpu.memory_space<hbm>> -> memref<4x8x128xf32, #tpu.memory_space<hbm>>
        %dma_wait3A_286 = arith.constant 0 : i32
        %dma_wait3A_287 = arith.constant 0 : i32
        %dma_wait3A_288 = tpu.memref_slice %arg4[%dma_wait3A_275, %dma_wait3A_276, %mul3A_273, %dma_wait3A_286, %dma_wait3A_287] : memref<50x4x128x8x128xf32, #tpu.memory_space<hbm>> -> memref<1x1x4x8x128xf32, #tpu.memory_space<hbm>>
        %dma_wait3A_289 = tpu.memref_squeeze %dma_wait3A_288 : memref<1x1x4x8x128xf32, #tpu.memory_space<hbm>> -> memref<4x8x128xf32, #tpu.memory_space<hbm>>
        %dma_wait3A_290 = arith.constant 0 : i32
        %dma_wait3A_291 = arith.constant 0 : i32
        %dma_wait3A_292 = arith.constant 0 : i32
        %dma_wait3A_293 = tpu.memref_slice %arg7[%dma_wait3A_274, %dma_wait3A_290, %dma_wait3A_291, %dma_wait3A_292] : memref<4x4x8x128xf32, #tpu.memory_space<vmem>> -> memref<1x4x8x128xf32, #tpu.memory_space<vmem>>
        %dma_wait3A_294 = tpu.memref_squeeze %dma_wait3A_293 : memref<1x4x8x128xf32, #tpu.memory_space<vmem>> -> memref<4x8x128xf32, #tpu.memory_space<vmem>>
        tpu.wait_dma2 semaphore(%arg9 : memref<!tpu.dma_semaphore, #tpu.memory_space<semaphore_mem>>) src(%dma_wait3A_294 : memref<4x8x128xf32, #tpu.memory_space<vmem>>) dst(%dma_wait3A_289 : memref<4x8x128xf32, #tpu.memory_space<hbm>>)
        %mul3A_295 = arith.constant 4 : i32
        %mul3A_296 = arith.muli %add3A, %mul3A_295 : i32
        %dma_wait3A_297 = arith.constant 3 : i32
        %dma_wait3A_298 = arith.constant 0 : i32
        %dma_wait3A_299 = arith.constant 3 : i32
        %dma_wait3A_300 = arith.constant 0 : i32
        %dma_wait3A_301 = arith.constant 0 : i32
        %dma_wait3A_302 = arith.constant 0 : i32
        %dma_wait3A_303 = tpu.memref_slice %arg7[%dma_wait3A_297, %dma_wait3A_300, %dma_wait3A_301, %dma_wait3A_302] : memref<4x4x8x128xf32, #tpu.memory_space<vmem>> -> memref<1x4x8x128xf32, #tpu.memory_space<vmem>>
        %dma_wait3A_304 = tpu.memref_squeeze %dma_wait3A_303 : memref<1x4x8x128xf32, #tpu.memory_space<vmem>> -> memref<4x8x128xf32, #tpu.memory_space<vmem>>
        %dma_wait3A_305 = arith.constant 0 : i32
        %dma_wait3A_306 = arith.constant 0 : i32
        %dma_wait3A_307 = tpu.memref_slice %arg4[%dma_wait3A_298, %dma_wait3A_299, %mul3A_296, %dma_wait3A_305, %dma_wait3A_306] : memref<50x4x128x8x128xf32, #tpu.memory_space<hbm>> -> memref<1x1x4x8x128xf32, #tpu.memory_space<hbm>>
        %dma_wait3A_308 = tpu.memref_squeeze %dma_wait3A_307 : memref<1x1x4x8x128xf32, #tpu.memory_space<hbm>> -> memref<4x8x128xf32, #tpu.memory_space<hbm>>
        %dma_wait3A_309 = arith.constant 0 : i32
        %dma_wait3A_310 = arith.constant 0 : i32
        %dma_wait3A_311 = tpu.memref_slice %arg4[%dma_wait3A_298, %dma_wait3A_299, %mul3A_296, %dma_wait3A_309, %dma_wait3A_310] : memref<50x4x128x8x128xf32, #tpu.memory_space<hbm>> -> memref<1x1x4x8x128xf32, #tpu.memory_space<hbm>>
        %dma_wait3A_312 = tpu.memref_squeeze %dma_wait3A_311 : memref<1x1x4x8x128xf32, #tpu.memory_space<hbm>> -> memref<4x8x128xf32, #tpu.memory_space<hbm>>
        %dma_wait3A_313 = arith.constant 0 : i32
        %dma_wait3A_314 = arith.constant 0 : i32
        %dma_wait3A_315 = arith.constant 0 : i32
        %dma_wait3A_316 = tpu.memref_slice %arg7[%dma_wait3A_297, %dma_wait3A_313, %dma_wait3A_314, %dma_wait3A_315] : memref<4x4x8x128xf32, #tpu.memory_space<vmem>> -> memref<1x4x8x128xf32, #tpu.memory_space<vmem>>
        %dma_wait3A_317 = tpu.memref_squeeze %dma_wait3A_316 : memref<1x4x8x128xf32, #tpu.memory_space<vmem>> -> memref<4x8x128xf32, #tpu.memory_space<vmem>>
        tpu.wait_dma2 semaphore(%arg9 : memref<!tpu.dma_semaphore, #tpu.memory_space<semaphore_mem>>) src(%dma_wait3A_317 : memref<4x8x128xf32, #tpu.memory_space<vmem>>) dst(%dma_wait3A_312 : memref<4x8x128xf32, #tpu.memory_space<hbm>>)
      } else {
      }
      %mul3A_134 = arith.constant 512 : i32
      %mul3A_135 = arith.muli %rem3A_112, %mul3A_134 : i32
      %parallel_loop3A = arith.constant 0 : i32
      %parallel_loop3A_136 = arith.constant 128 : i32
      %parallel_loop3A_137 = arith.constant 1 : i32
      scf.for %parallel_loop3A_226 = %parallel_loop3A to %parallel_loop3A_136 step %parallel_loop3A_137  : i32 {
        %parallel_loop3A_227 = arith.constant 32 : i32
        %parallel_loop3A_228 = arith.divsi %parallel_loop3A_226, %parallel_loop3A_227 : i32
        %parallel_loop3A_229 = arith.constant 0 : i32
        %parallel_loop3A_230 = arith.cmpi sgt, %parallel_loop3A_226, %parallel_loop3A_229 : i32
        %parallel_loop3A_231 = arith.extui %parallel_loop3A_230 : i1 to i32
        %parallel_loop3A_232 = arith.constant 0 : i32
        %parallel_loop3A_233 = arith.cmpi slt, %parallel_loop3A_226, %parallel_loop3A_232 : i32
        %parallel_loop3A_234 = arith.extui %parallel_loop3A_233 : i1 to i32
        %parallel_loop3A_235 = arith.subi %parallel_loop3A_231, %parallel_loop3A_234 : i32
        %parallel_loop3A_236 = arith.constant 0 : i32
        %parallel_loop3A_237 = arith.cmpi sgt, %parallel_loop3A_227, %parallel_loop3A_236 : i32
        %parallel_loop3A_238 = arith.extui %parallel_loop3A_237 : i1 to i32
        %parallel_loop3A_239 = arith.constant 0 : i32
        %parallel_loop3A_240 = arith.cmpi slt, %parallel_loop3A_227, %parallel_loop3A_239 : i32
        %parallel_loop3A_241 = arith.extui %parallel_loop3A_240 : i1 to i32
        %parallel_loop3A_242 = arith.subi %parallel_loop3A_238, %parallel_loop3A_241 : i32
        %parallel_loop3A_243 = arith.cmpi ne, %parallel_loop3A_235, %parallel_loop3A_242 : i32
        %parallel_loop3A_244 = arith.remsi %parallel_loop3A_226, %parallel_loop3A_227 : i32
        %parallel_loop3A_245 = arith.constant 0 : i32
        %parallel_loop3A_246 = arith.cmpi ne, %parallel_loop3A_244, %parallel_loop3A_245 : i32
        %parallel_loop3A_247 = arith.andi %parallel_loop3A_243, %parallel_loop3A_246 : i1
        %parallel_loop3A_248 = arith.constant 1 : i32
        %parallel_loop3A_249 = arith.subi %parallel_loop3A_228, %parallel_loop3A_248 : i32
        %parallel_loop3A_250 = arith.select %parallel_loop3A_247, %parallel_loop3A_249, %parallel_loop3A_228 : i32
        %parallel_loop3A_251 = arith.constant 32 : i32
        %parallel_loop3A_252 = arith.remsi %parallel_loop3A_226, %parallel_loop3A_251 : i32
        %parallel_loop3A_253 = arith.constant 8 : i32
        %parallel_loop3A_254 = arith.divsi %parallel_loop3A_252, %parallel_loop3A_253 : i32
        %parallel_loop3A_255 = arith.constant 0 : i32
        %parallel_loop3A_256 = arith.cmpi sgt, %parallel_loop3A_252, %parallel_loop3A_255 : i32
        %parallel_loop3A_257 = arith.extui %parallel_loop3A_256 : i1 to i32
        %parallel_loop3A_258 = arith.constant 0 : i32
        %parallel_loop3A_259 = arith.cmpi slt, %parallel_loop3A_252, %parallel_loop3A_258 : i32
        %parallel_loop3A_260 = arith.extui %parallel_loop3A_259 : i1 to i32
        %parallel_loop3A_261 = arith.subi %parallel_loop3A_257, %parallel_loop3A_260 : i32
        %parallel_loop3A_262 = arith.constant 0 : i32
        %parallel_loop3A_263 = arith.cmpi sgt, %parallel_loop3A_253, %parallel_loop3A_262 : i32
        %parallel_loop3A_264 = arith.extui %parallel_loop3A_263 : i1 to i32
        %parallel_loop3A_265 = arith.constant 0 : i32
        %parallel_loop3A_266 = arith.cmpi slt, %parallel_loop3A_253, %parallel_loop3A_265 : i32
        %parallel_loop3A_267 = arith.extui %parallel_loop3A_266 : i1 to i32
        %parallel_loop3A_268 = arith.subi %parallel_loop3A_264, %parallel_loop3A_267 : i32
        %parallel_loop3A_269 = arith.cmpi ne, %parallel_loop3A_261, %parallel_loop3A_268 : i32
        %parallel_loop3A_270 = arith.remsi %parallel_loop3A_252, %parallel_loop3A_253 : i32
        %parallel_loop3A_271 = arith.constant 0 : i32
        %parallel_loop3A_272 = arith.cmpi ne, %parallel_loop3A_270, %parallel_loop3A_271 : i32
        %parallel_loop3A_273 = arith.andi %parallel_loop3A_269, %parallel_loop3A_272 : i1
        %parallel_loop3A_274 = arith.constant 1 : i32
        %parallel_loop3A_275 = arith.subi %parallel_loop3A_254, %parallel_loop3A_274 : i32
        %parallel_loop3A_276 = arith.select %parallel_loop3A_273, %parallel_loop3A_275, %parallel_loop3A_254 : i32
        %parallel_loop3A_277 = arith.constant 8 : i32
        %parallel_loop3A_278 = arith.remsi %parallel_loop3A_252, %parallel_loop3A_277 : i32
        %parallel_loop3A_279 = arith.constant 128 : i32
        %parallel_loop3A_280 = arith.muli %parallel_loop3A_276, %parallel_loop3A_279 : i32
        %parallel_loop3A_281 = arith.addi %mul3A_135, %parallel_loop3A_280 : i32
        %parallel_loop3A_282 = vector.broadcast %parallel_loop3A_281 : i32 to vector<16xi32>
        %parallel_loop3A_283 = arith.addi %parallel_loop3A_282, %iota3A : vector<16xi32>
        %parallel_loop3A_284 = arith.constant 8 : i32
        %parallel_loop3A_285 = arith.muli %parallel_loop3A_250, %parallel_loop3A_284 : i32
        %parallel_loop3A_286 = arith.addi %parallel_loop3A_285, %parallel_loop3A_278 : i32
        %parallel_loop3A_287 = vector.broadcast %parallel_loop3A_286 : i32 to vector<16xi32>
        %parallel_loop3A_288 = arith.constant 0 : i32
        %parallel_loop3A_289 = vector.broadcast %parallel_loop3A_288 : i32 to vector<16xi32>
        %parallel_loop3A_290 = arith.addi %parallel_loop3A_283, %parallel_loop3A_289 : vector<16xi32>
        %parallel_loop3A_291 = tpu.vector_load_idx %arg6[%parallel_loop3A_290, %parallel_loop3A_287] : memref<1024x32xf32, #tpu.memory_space<vmem>>[vector<16xi32>, vector<16xi32>], vector<16xf32>,
        %parallel_loop3A_292 = arith.index_cast %parallel_loop3A_250 : i32 to index
        %parallel_loop3A_293 = arith.index_cast %parallel_loop3A_276 : i32 to index
        %parallel_loop3A_294 = arith.index_cast %parallel_loop3A_278 : i32 to index
        %parallel_loop3A_295 = arith.constant 0 : index
        %parallel_loop3A_296 = tpu.vector_load %arg7[%parallel_loop3A_292, %parallel_loop3A_293, %parallel_loop3A_294, %parallel_loop3A_295] {strides = array<i32>} : memref<4x4x8x128xf32, #tpu.memory_space<vmem>>, vector<16xf32>,
        tpu.vector_store %arg7[%parallel_loop3A_292, %parallel_loop3A_293, %parallel_loop3A_294, %parallel_loop3A_295], %parallel_loop3A_291 {strides = array<i32>} : memref<4x4x8x128xf32, #tpu.memory_space<vmem>>, vector<16xf32>,
        %parallel_loop3A_297 = arith.constant 16 : i32
        %parallel_loop3A_298 = vector.broadcast %parallel_loop3A_297 : i32 to vector<16xi32>
        %parallel_loop3A_299 = arith.addi %parallel_loop3A_283, %parallel_loop3A_298 : vector<16xi32>
        %parallel_loop3A_300 = tpu.vector_load_idx %arg6[%parallel_loop3A_299, %parallel_loop3A_287] : memref<1024x32xf32, #tpu.memory_space<vmem>>[vector<16xi32>, vector<16xi32>], vector<16xf32>,
        %parallel_loop3A_301 = arith.index_cast %parallel_loop3A_250 : i32 to index
        %parallel_loop3A_302 = arith.index_cast %parallel_loop3A_276 : i32 to index
        %parallel_loop3A_303 = arith.index_cast %parallel_loop3A_278 : i32 to index
        %parallel_loop3A_304 = arith.constant 16 : index
        %parallel_loop3A_305 = tpu.vector_load %arg7[%parallel_loop3A_301, %parallel_loop3A_302, %parallel_loop3A_303, %parallel_loop3A_304] {strides = array<i32>} : memref<4x4x8x128xf32, #tpu.memory_space<vmem>>, vector<16xf32>,
        tpu.vector_store %arg7[%parallel_loop3A_301, %parallel_loop3A_302, %parallel_loop3A_303, %parallel_loop3A_304], %parallel_loop3A_300 {strides = array<i32>} : memref<4x4x8x128xf32, #tpu.memory_space<vmem>>, vector<16xf32>,
        %parallel_loop3A_306 = arith.constant 32 : i32
        %parallel_loop3A_307 = vector.broadcast %parallel_loop3A_306 : i32 to vector<16xi32>
        %parallel_loop3A_308 = arith.addi %parallel_loop3A_283, %parallel_loop3A_307 : vector<16xi32>
        %parallel_loop3A_309 = tpu.vector_load_idx %arg6[%parallel_loop3A_308, %parallel_loop3A_287] : memref<1024x32xf32, #tpu.memory_space<vmem>>[vector<16xi32>, vector<16xi32>], vector<16xf32>,
        %parallel_loop3A_310 = arith.index_cast %parallel_loop3A_250 : i32 to index
        %parallel_loop3A_311 = arith.index_cast %parallel_loop3A_276 : i32 to index
        %parallel_loop3A_312 = arith.index_cast %parallel_loop3A_278 : i32 to index
        %parallel_loop3A_313 = arith.constant 32 : index
        %parallel_loop3A_314 = tpu.vector_load %arg7[%parallel_loop3A_310, %parallel_loop3A_311, %parallel_loop3A_312, %parallel_loop3A_313] {strides = array<i32>} : memref<4x4x8x128xf32, #tpu.memory_space<vmem>>, vector<16xf32>,
        tpu.vector_store %arg7[%parallel_loop3A_310, %parallel_loop3A_311, %parallel_loop3A_312, %parallel_loop3A_313], %parallel_loop3A_309 {strides = array<i32>} : memref<4x4x8x128xf32, #tpu.memory_space<vmem>>, vector<16xf32>,
        %parallel_loop3A_315 = arith.constant 48 : i32
        %parallel_loop3A_316 = vector.broadcast %parallel_loop3A_315 : i32 to vector<16xi32>
        %parallel_loop3A_317 = arith.addi %parallel_loop3A_283, %parallel_loop3A_316 : vector<16xi32>
        %parallel_loop3A_318 = tpu.vector_load_idx %arg6[%parallel_loop3A_317, %parallel_loop3A_287] : memref<1024x32xf32, #tpu.memory_space<vmem>>[vector<16xi32>, vector<16xi32>], vector<16xf32>,
        %parallel_loop3A_319 = arith.index_cast %parallel_loop3A_250 : i32 to index
        %parallel_loop3A_320 = arith.index_cast %parallel_loop3A_276 : i32 to index
        %parallel_loop3A_321 = arith.index_cast %parallel_loop3A_278 : i32 to index
        %parallel_loop3A_322 = arith.constant 48 : index
        %parallel_loop3A_323 = tpu.vector_load %arg7[%parallel_loop3A_319, %parallel_loop3A_320, %parallel_loop3A_321, %parallel_loop3A_322] {strides = array<i32>} : memref<4x4x8x128xf32, #tpu.memory_space<vmem>>, vector<16xf32>,
        tpu.vector_store %arg7[%parallel_loop3A_319, %parallel_loop3A_320, %parallel_loop3A_321, %parallel_loop3A_322], %parallel_loop3A_318 {strides = array<i32>} : memref<4x4x8x128xf32, #tpu.memory_space<vmem>>, vector<16xf32>,
        %parallel_loop3A_324 = arith.constant 64 : i32
        %parallel_loop3A_325 = vector.broadcast %parallel_loop3A_324 : i32 to vector<16xi32>
        %parallel_loop3A_326 = arith.addi %parallel_loop3A_283, %parallel_loop3A_325 : vector<16xi32>
        %parallel_loop3A_327 = tpu.vector_load_idx %arg6[%parallel_loop3A_326, %parallel_loop3A_287] : memref<1024x32xf32, #tpu.memory_space<vmem>>[vector<16xi32>, vector<16xi32>], vector<16xf32>,
        %parallel_loop3A_328 = arith.index_cast %parallel_loop3A_250 : i32 to index
        %parallel_loop3A_329 = arith.index_cast %parallel_loop3A_276 : i32 to index
        %parallel_loop3A_330 = arith.index_cast %parallel_loop3A_278 : i32 to index
        %parallel_loop3A_331 = arith.constant 64 : index
        %parallel_loop3A_332 = tpu.vector_load %arg7[%parallel_loop3A_328, %parallel_loop3A_329, %parallel_loop3A_330, %parallel_loop3A_331] {strides = array<i32>} : memref<4x4x8x128xf32, #tpu.memory_space<vmem>>, vector<16xf32>,
        tpu.vector_store %arg7[%parallel_loop3A_328, %parallel_loop3A_329, %parallel_loop3A_330, %parallel_loop3A_331], %parallel_loop3A_327 {strides = array<i32>} : memref<4x4x8x128xf32, #tpu.memory_space<vmem>>, vector<16xf32>,
        %parallel_loop3A_333 = arith.constant 80 : i32
        %parallel_loop3A_334 = vector.broadcast %parallel_loop3A_333 : i32 to vector<16xi32>
        %parallel_loop3A_335 = arith.addi %parallel_loop3A_283, %parallel_loop3A_334 : vector<16xi32>
        %parallel_loop3A_336 = tpu.vector_load_idx %arg6[%parallel_loop3A_335, %parallel_loop3A_287] : memref<1024x32xf32, #tpu.memory_space<vmem>>[vector<16xi32>, vector<16xi32>], vector<16xf32>,
        %parallel_loop3A_337 = arith.index_cast %parallel_loop3A_250 : i32 to index
        %parallel_loop3A_338 = arith.index_cast %parallel_loop3A_276 : i32 to index
        %parallel_loop3A_339 = arith.index_cast %parallel_loop3A_278 : i32 to index
        %parallel_loop3A_340 = arith.constant 80 : index
        %parallel_loop3A_341 = tpu.vector_load %arg7[%parallel_loop3A_337, %parallel_loop3A_338, %parallel_loop3A_339, %parallel_loop3A_340] {strides = array<i32>} : memref<4x4x8x128xf32, #tpu.memory_space<vmem>>, vector<16xf32>,
        tpu.vector_store %arg7[%parallel_loop3A_337, %parallel_loop3A_338, %parallel_loop3A_339, %parallel_loop3A_340], %parallel_loop3A_336 {strides = array<i32>} : memref<4x4x8x128xf32, #tpu.memory_space<vmem>>, vector<16xf32>,
        %parallel_loop3A_342 = arith.constant 96 : i32
        %parallel_loop3A_343 = vector.broadcast %parallel_loop3A_342 : i32 to vector<16xi32>
        %parallel_loop3A_344 = arith.addi %parallel_loop3A_283, %parallel_loop3A_343 : vector<16xi32>
        %parallel_loop3A_345 = tpu.vector_load_idx %arg6[%parallel_loop3A_344, %parallel_loop3A_287] : memref<1024x32xf32, #tpu.memory_space<vmem>>[vector<16xi32>, vector<16xi32>], vector<16xf32>,
        %parallel_loop3A_346 = arith.index_cast %parallel_loop3A_250 : i32 to index
        %parallel_loop3A_347 = arith.index_cast %parallel_loop3A_276 : i32 to index
        %parallel_loop3A_348 = arith.index_cast %parallel_loop3A_278 : i32 to index
        %parallel_loop3A_349 = arith.constant 96 : index
        %parallel_loop3A_350 = tpu.vector_load %arg7[%parallel_loop3A_346, %parallel_loop3A_347, %parallel_loop3A_348, %parallel_loop3A_349] {strides = array<i32>} : memref<4x4x8x128xf32, #tpu.memory_space<vmem>>, vector<16xf32>,
        tpu.vector_store %arg7[%parallel_loop3A_346, %parallel_loop3A_347, %parallel_loop3A_348, %parallel_loop3A_349], %parallel_loop3A_345 {strides = array<i32>} : memref<4x4x8x128xf32, #tpu.memory_space<vmem>>, vector<16xf32>,
        %parallel_loop3A_351 = arith.constant 112 : i32
        %parallel_loop3A_352 = vector.broadcast %parallel_loop3A_351 : i32 to vector<16xi32>
        %parallel_loop3A_353 = arith.addi %parallel_loop3A_283, %parallel_loop3A_352 : vector<16xi32>
        %parallel_loop3A_354 = tpu.vector_load_idx %arg6[%parallel_loop3A_353, %parallel_loop3A_287] : memref<1024x32xf32, #tpu.memory_space<vmem>>[vector<16xi32>, vector<16xi32>], vector<16xf32>,
        %parallel_loop3A_355 = arith.index_cast %parallel_loop3A_250 : i32 to index
        %parallel_loop3A_356 = arith.index_cast %parallel_loop3A_276 : i32 to index
        %parallel_loop3A_357 = arith.index_cast %parallel_loop3A_278 : i32 to index
        %parallel_loop3A_358 = arith.constant 112 : index
        %parallel_loop3A_359 = tpu.vector_load %arg7[%parallel_loop3A_355, %parallel_loop3A_356, %parallel_loop3A_357, %parallel_loop3A_358] {strides = array<i32>} : memref<4x4x8x128xf32, #tpu.memory_space<vmem>>, vector<16xf32>,
        tpu.vector_store %arg7[%parallel_loop3A_355, %parallel_loop3A_356, %parallel_loop3A_357, %parallel_loop3A_358], %parallel_loop3A_354 {strides = array<i32>} : memref<4x4x8x128xf32, #tpu.memory_space<vmem>>, vector<16xf32>,
      } {sc.loop_unroll_factor = 4 : i64, sc.parallel_access}
      %mul3A_138 = arith.constant 4 : i32
      %mul3A_139 = arith.muli %add3A, %mul3A_138 : i32
      %dma_start3A_140 = arith.constant 0 : i32
      %dma_start3A_141 = arith.constant 0 : i32
      %dma_start3A_142 = arith.constant 0 : i32
      %dma_start3A_143 = arith.constant 0 : i32
      %dma_start3A_144 = arith.constant 0 : i32
      %dma_start3A_145 = tpu.memref_slice %arg7[%dma_start3A_140, %dma_start3A_142, %dma_start3A_143, %dma_start3A_144] : memref<4x4x8x128xf32, #tpu.memory_space<vmem>> -> memref<1x4x8x128xf32, #tpu.memory_space<vmem>>
      %dma_start3A_146 = tpu.memref_squeeze %dma_start3A_145 : memref<1x4x8x128xf32, #tpu.memory_space<vmem>> -> memref<4x8x128xf32, #tpu.memory_space<vmem>>
      %dma_start3A_147 = arith.constant 0 : i32
      %dma_start3A_148 = arith.constant 0 : i32
      %dma_start3A_149 = tpu.memref_slice %arg4[%scan3A_111, %dma_start3A_141, %mul3A_139, %dma_start3A_147, %dma_start3A_148] : memref<50x4x128x8x128xf32, #tpu.memory_space<hbm>> -> memref<1x1x4x8x128xf32, #tpu.memory_space<hbm>>
      %dma_start3A_150 = tpu.memref_squeeze %dma_start3A_149 : memref<1x1x4x8x128xf32, #tpu.memory_space<hbm>> -> memref<4x8x128xf32, #tpu.memory_space<hbm>>
      %dma_start3A_151 = arith.constant 0 : i32
      %dma_start3A_152 = arith.constant 0 : i32
      %dma_start3A_153 = tpu.memref_slice %arg4[%scan3A_111, %dma_start3A_141, %mul3A_139, %dma_start3A_151, %dma_start3A_152] : memref<50x4x128x8x128xf32, #tpu.memory_space<hbm>> -> memref<1x1x4x8x128xf32, #tpu.memory_space<hbm>>
      %dma_start3A_154 = tpu.memref_squeeze %dma_start3A_153 : memref<1x1x4x8x128xf32, #tpu.memory_space<hbm>> -> memref<4x8x128xf32, #tpu.memory_space<hbm>>
      %dma_start3A_155 = arith.constant 0 : i32
      %dma_start3A_156 = arith.constant 0 : i32
      %dma_start3A_157 = arith.constant 0 : i32
      %dma_start3A_158 = tpu.memref_slice %arg7[%dma_start3A_140, %dma_start3A_155, %dma_start3A_156, %dma_start3A_157] : memref<4x4x8x128xf32, #tpu.memory_space<vmem>> -> memref<1x4x8x128xf32, #tpu.memory_space<vmem>>
      %dma_start3A_159 = tpu.memref_squeeze %dma_start3A_158 : memref<1x4x8x128xf32, #tpu.memory_space<vmem>> -> memref<4x8x128xf32, #tpu.memory_space<vmem>>
      tpu.enqueue_dma source(%dma_start3A_159 : memref<4x8x128xf32, #tpu.memory_space<vmem>>) target(%dma_start3A_154 : memref<4x8x128xf32, #tpu.memory_space<hbm>>) target_semaphore(%arg9 : memref<!tpu.dma_semaphore, #tpu.memory_space<semaphore_mem>>)
      %mul3A_160 = arith.constant 4 : i32
      %mul3A_161 = arith.muli %add3A, %mul3A_160 : i32
      %dma_start3A_162 = arith.constant 1 : i32
      %dma_start3A_163 = arith.constant 1 : i32
      %dma_start3A_164 = arith.constant 0 : i32
      %dma_start3A_165 = arith.constant 0 : i32
      %dma_start3A_166 = arith.constant 0 : i32
      %dma_start3A_167 = tpu.memref_slice %arg7[%dma_start3A_162, %dma_start3A_164, %dma_start3A_165, %dma_start3A_166] : memref<4x4x8x128xf32, #tpu.memory_space<vmem>> -> memref<1x4x8x128xf32, #tpu.memory_space<vmem>>
      %dma_start3A_168 = tpu.memref_squeeze %dma_start3A_167 : memref<1x4x8x128xf32, #tpu.memory_space<vmem>> -> memref<4x8x128xf32, #tpu.memory_space<vmem>>
      %dma_start3A_169 = arith.constant 0 : i32
      %dma_start3A_170 = arith.constant 0 : i32
      %dma_start3A_171 = tpu.memref_slice %arg4[%scan3A_111, %dma_start3A_163, %mul3A_161, %dma_start3A_169, %dma_start3A_170] : memref<50x4x128x8x128xf32, #tpu.memory_space<hbm>> -> memref<1x1x4x8x128xf32, #tpu.memory_space<hbm>>
      %dma_start3A_172 = tpu.memref_squeeze %dma_start3A_171 : memref<1x1x4x8x128xf32, #tpu.memory_space<hbm>> -> memref<4x8x128xf32, #tpu.memory_space<hbm>>
      %dma_start3A_173 = arith.constant 0 : i32
      %dma_start3A_174 = arith.constant 0 : i32
      %dma_start3A_175 = tpu.memref_slice %arg4[%scan3A_111, %dma_start3A_163, %mul3A_161, %dma_start3A_173, %dma_start3A_174] : memref<50x4x128x8x128xf32, #tpu.memory_space<hbm>> -> memref<1x1x4x8x128xf32, #tpu.memory_space<hbm>>
      %dma_start3A_176 = tpu.memref_squeeze %dma_start3A_175 : memref<1x1x4x8x128xf32, #tpu.memory_space<hbm>> -> memref<4x8x128xf32, #tpu.memory_space<hbm>>
      %dma_start3A_177 = arith.constant 0 : i32
      %dma_start3A_178 = arith.constant 0 : i32
      %dma_start3A_179 = arith.constant 0 : i32
      %dma_start3A_180 = tpu.memref_slice %arg7[%dma_start3A_162, %dma_start3A_177, %dma_start3A_178, %dma_start3A_179] : memref<4x4x8x128xf32, #tpu.memory_space<vmem>> -> memref<1x4x8x128xf32, #tpu.memory_space<vmem>>
      %dma_start3A_181 = tpu.memref_squeeze %dma_start3A_180 : memref<1x4x8x128xf32, #tpu.memory_space<vmem>> -> memref<4x8x128xf32, #tpu.memory_space<vmem>>
      tpu.enqueue_dma source(%dma_start3A_181 : memref<4x8x128xf32, #tpu.memory_space<vmem>>) target(%dma_start3A_176 : memref<4x8x128xf32, #tpu.memory_space<hbm>>) target_semaphore(%arg9 : memref<!tpu.dma_semaphore, #tpu.memory_space<semaphore_mem>>)
      %mul3A_182 = arith.constant 4 : i32
      %mul3A_183 = arith.muli %add3A, %mul3A_182 : i32
      %dma_start3A_184 = arith.constant 2 : i32
      %dma_start3A_185 = arith.constant 2 : i32
      %dma_start3A_186 = arith.constant 0 : i32
      %dma_start3A_187 = arith.constant 0 : i32
      %dma_start3A_188 = arith.constant 0 : i32
      %dma_start3A_189 = tpu.memref_slice %arg7[%dma_start3A_184, %dma_start3A_186, %dma_start3A_187, %dma_start3A_188] : memref<4x4x8x128xf32, #tpu.memory_space<vmem>> -> memref<1x4x8x128xf32, #tpu.memory_space<vmem>>
      %dma_start3A_190 = tpu.memref_squeeze %dma_start3A_189 : memref<1x4x8x128xf32, #tpu.memory_space<vmem>> -> memref<4x8x128xf32, #tpu.memory_space<vmem>>
      %dma_start3A_191 = arith.constant 0 : i32
      %dma_start3A_192 = arith.constant 0 : i32
      %dma_start3A_193 = tpu.memref_slice %arg4[%scan3A_111, %dma_start3A_185, %mul3A_183, %dma_start3A_191, %dma_start3A_192] : memref<50x4x128x8x128xf32, #tpu.memory_space<hbm>> -> memref<1x1x4x8x128xf32, #tpu.memory_space<hbm>>
      %dma_start3A_194 = tpu.memref_squeeze %dma_start3A_193 : memref<1x1x4x8x128xf32, #tpu.memory_space<hbm>> -> memref<4x8x128xf32, #tpu.memory_space<hbm>>
      %dma_start3A_195 = arith.constant 0 : i32
      %dma_start3A_196 = arith.constant 0 : i32
      %dma_start3A_197 = tpu.memref_slice %arg4[%scan3A_111, %dma_start3A_185, %mul3A_183, %dma_start3A_195, %dma_start3A_196] : memref<50x4x128x8x128xf32, #tpu.memory_space<hbm>> -> memref<1x1x4x8x128xf32, #tpu.memory_space<hbm>>
      %dma_start3A_198 = tpu.memref_squeeze %dma_start3A_197 : memref<1x1x4x8x128xf32, #tpu.memory_space<hbm>> -> memref<4x8x128xf32, #tpu.memory_space<hbm>>
      %dma_start3A_199 = arith.constant 0 : i32
      %dma_start3A_200 = arith.constant 0 : i32
      %dma_start3A_201 = arith.constant 0 : i32
      %dma_start3A_202 = tpu.memref_slice %arg7[%dma_start3A_184, %dma_start3A_199, %dma_start3A_200, %dma_start3A_201] : memref<4x4x8x128xf32, #tpu.memory_space<vmem>> -> memref<1x4x8x128xf32, #tpu.memory_space<vmem>>
      %dma_start3A_203 = tpu.memref_squeeze %dma_start3A_202 : memref<1x4x8x128xf32, #tpu.memory_space<vmem>> -> memref<4x8x128xf32, #tpu.memory_space<vmem>>
      tpu.enqueue_dma source(%dma_start3A_203 : memref<4x8x128xf32, #tpu.memory_space<vmem>>) target(%dma_start3A_198 : memref<4x8x128xf32, #tpu.memory_space<hbm>>) target_semaphore(%arg9 : memref<!tpu.dma_semaphore, #tpu.memory_space<semaphore_mem>>)
      %mul3A_204 = arith.constant 4 : i32
      %mul3A_205 = arith.muli %add3A, %mul3A_204 : i32
      %dma_start3A_206 = arith.constant 3 : i32
      %dma_start3A_207 = arith.constant 3 : i32
      %dma_start3A_208 = arith.constant 0 : i32
      %dma_start3A_209 = arith.constant 0 : i32
      %dma_start3A_210 = arith.constant 0 : i32
      %dma_start3A_211 = tpu.memref_slice %arg7[%dma_start3A_206, %dma_start3A_208, %dma_start3A_209, %dma_start3A_210] : memref<4x4x8x128xf32, #tpu.memory_space<vmem>> -> memref<1x4x8x128xf32, #tpu.memory_space<vmem>>
      %dma_start3A_212 = tpu.memref_squeeze %dma_start3A_211 : memref<1x4x8x128xf32, #tpu.memory_space<vmem>> -> memref<4x8x128xf32, #tpu.memory_space<vmem>>
      %dma_start3A_213 = arith.constant 0 : i32
      %dma_start3A_214 = arith.constant 0 : i32
      %dma_start3A_215 = tpu.memref_slice %arg4[%scan3A_111, %dma_start3A_207, %mul3A_205, %dma_start3A_213, %dma_start3A_214] : memref<50x4x128x8x128xf32, #tpu.memory_space<hbm>> -> memref<1x1x4x8x128xf32, #tpu.memory_space<hbm>>
      %dma_start3A_216 = tpu.memref_squeeze %dma_start3A_215 : memref<1x1x4x8x128xf32, #tpu.memory_space<hbm>> -> memref<4x8x128xf32, #tpu.memory_space<hbm>>
      %dma_start3A_217 = arith.constant 0 : i32
      %dma_start3A_218 = arith.constant 0 : i32
      %dma_start3A_219 = tpu.memref_slice %arg4[%scan3A_111, %dma_start3A_207, %mul3A_205, %dma_start3A_217, %dma_start3A_218] : memref<50x4x128x8x128xf32, #tpu.memory_space<hbm>> -> memref<1x1x4x8x128xf32, #tpu.memory_space<hbm>>
      %dma_start3A_220 = tpu.memref_squeeze %dma_start3A_219 : memref<1x1x4x8x128xf32, #tpu.memory_space<hbm>> -> memref<4x8x128xf32, #tpu.memory_space<hbm>>
      %dma_start3A_221 = arith.constant 0 : i32
      %dma_start3A_222 = arith.constant 0 : i32
      %dma_start3A_223 = arith.constant 0 : i32
      %dma_start3A_224 = tpu.memref_slice %arg7[%dma_start3A_206, %dma_start3A_221, %dma_start3A_222, %dma_start3A_223] : memref<4x4x8x128xf32, #tpu.memory_space<vmem>> -> memref<1x4x8x128xf32, #tpu.memory_space<vmem>>
      %dma_start3A_225 = tpu.memref_squeeze %dma_start3A_224 : memref<1x4x8x128xf32, #tpu.memory_space<vmem>> -> memref<4x8x128xf32, #tpu.memory_space<vmem>>
      tpu.enqueue_dma source(%dma_start3A_225 : memref<4x8x128xf32, #tpu.memory_space<vmem>>) target(%dma_start3A_220 : memref<4x8x128xf32, #tpu.memory_space<hbm>>) target_semaphore(%arg9 : memref<!tpu.dma_semaphore, #tpu.memory_space<semaphore_mem>>)
    }
    %scan3A_19 = arith.constant 50 : i32
    %mul3A_20 = arith.constant 4 : i32
    %mul3A_21 = arith.muli %add3A, %mul3A_20 : i32
    %dma_wait3A = arith.constant 0 : i32
    %dma_wait3A_22 = arith.constant 0 : i32
    %dma_wait3A_23 = arith.constant 0 : i32
    %dma_wait3A_24 = arith.constant 0 : i32
    %dma_wait3A_25 = arith.constant 0 : i32
    %dma_wait3A_26 = arith.constant 0 : i32
    %dma_wait3A_27 = tpu.memref_slice %arg7[%dma_wait3A, %dma_wait3A_24, %dma_wait3A_25, %dma_wait3A_26] : memref<4x4x8x128xf32, #tpu.memory_space<vmem>> -> memref<1x4x8x128xf32, #tpu.memory_space<vmem>>
    %dma_wait3A_28 = tpu.memref_squeeze %dma_wait3A_27 : memref<1x4x8x128xf32, #tpu.memory_space<vmem>> -> memref<4x8x128xf32, #tpu.memory_space<vmem>>
    %dma_wait3A_29 = arith.constant 0 : i32
    %dma_wait3A_30 = arith.constant 0 : i32
    %dma_wait3A_31 = tpu.memref_slice %arg4[%dma_wait3A_22, %dma_wait3A_23, %mul3A_21, %dma_wait3A_29, %dma_wait3A_30] : memref<50x4x128x8x128xf32, #tpu.memory_space<hbm>> -> memref<1x1x4x8x128xf32, #tpu.memory_space<hbm>>
    %dma_wait3A_32 = tpu.memref_squeeze %dma_wait3A_31 : memref<1x1x4x8x128xf32, #tpu.memory_space<hbm>> -> memref<4x8x128xf32, #tpu.memory_space<hbm>>
    %dma_wait3A_33 = arith.constant 0 : i32
    %dma_wait3A_34 = arith.constant 0 : i32
    %dma_wait3A_35 = tpu.memref_slice %arg4[%dma_wait3A_22, %dma_wait3A_23, %mul3A_21, %dma_wait3A_33, %dma_wait3A_34] : memref<50x4x128x8x128xf32, #tpu.memory_space<hbm>> -> memref<1x1x4x8x128xf32, #tpu.memory_space<hbm>>
    %dma_wait3A_36 = tpu.memref_squeeze %dma_wait3A_35 : memref<1x1x4x8x128xf32, #tpu.memory_space<hbm>> -> memref<4x8x128xf32, #tpu.memory_space<hbm>>
    %dma_wait3A_37 = arith.constant 0 : i32
    %dma_wait3A_38 = arith.constant 0 : i32
    %dma_wait3A_39 = arith.constant 0 : i32
    %dma_wait3A_40 = tpu.memref_slice %arg7[%dma_wait3A, %dma_wait3A_37, %dma_wait3A_38, %dma_wait3A_39] : memref<4x4x8x128xf32, #tpu.memory_space<vmem>> -> memref<1x4x8x128xf32, #tpu.memory_space<vmem>>
    %dma_wait3A_41 = tpu.memref_squeeze %dma_wait3A_40 : memref<1x4x8x128xf32, #tpu.memory_space<vmem>> -> memref<4x8x128xf32, #tpu.memory_space<vmem>>
    tpu.wait_dma2 semaphore(%arg9 : memref<!tpu.dma_semaphore, #tpu.memory_space<semaphore_mem>>) src(%dma_wait3A_41 : memref<4x8x128xf32, #tpu.memory_space<vmem>>) dst(%dma_wait3A_36 : memref<4x8x128xf32, #tpu.memory_space<hbm>>)
    %mul3A_42 = arith.constant 4 : i32
    %mul3A_43 = arith.muli %add3A, %mul3A_42 : i32
    %dma_wait3A_44 = arith.constant 1 : i32
    %dma_wait3A_45 = arith.constant 0 : i32
    %dma_wait3A_46 = arith.constant 1 : i32
    %dma_wait3A_47 = arith.constant 0 : i32
    %dma_wait3A_48 = arith.constant 0 : i32
    %dma_wait3A_49 = arith.constant 0 : i32
    %dma_wait3A_50 = tpu.memref_slice %arg7[%dma_wait3A_44, %dma_wait3A_47, %dma_wait3A_48, %dma_wait3A_49] : memref<4x4x8x128xf32, #tpu.memory_space<vmem>> -> memref<1x4x8x128xf32, #tpu.memory_space<vmem>>
    %dma_wait3A_51 = tpu.memref_squeeze %dma_wait3A_50 : memref<1x4x8x128xf32, #tpu.memory_space<vmem>> -> memref<4x8x128xf32, #tpu.memory_space<vmem>>
    %dma_wait3A_52 = arith.constant 0 : i32
    %dma_wait3A_53 = arith.constant 0 : i32
    %dma_wait3A_54 = tpu.memref_slice %arg4[%dma_wait3A_45, %dma_wait3A_46, %mul3A_43, %dma_wait3A_52, %dma_wait3A_53] : memref<50x4x128x8x128xf32, #tpu.memory_space<hbm>> -> memref<1x1x4x8x128xf32, #tpu.memory_space<hbm>>
    %dma_wait3A_55 = tpu.memref_squeeze %dma_wait3A_54 : memref<1x1x4x8x128xf32, #tpu.memory_space<hbm>> -> memref<4x8x128xf32, #tpu.memory_space<hbm>>
    %dma_wait3A_56 = arith.constant 0 : i32
    %dma_wait3A_57 = arith.constant 0 : i32
    %dma_wait3A_58 = tpu.memref_slice %arg4[%dma_wait3A_45, %dma_wait3A_46, %mul3A_43, %dma_wait3A_56, %dma_wait3A_57] : memref<50x4x128x8x128xf32, #tpu.memory_space<hbm>> -> memref<1x1x4x8x128xf32, #tpu.memory_space<hbm>>
    %dma_wait3A_59 = tpu.memref_squeeze %dma_wait3A_58 : memref<1x1x4x8x128xf32, #tpu.memory_space<hbm>> -> memref<4x8x128xf32, #tpu.memory_space<hbm>>
    %dma_wait3A_60 = arith.constant 0 : i32
    %dma_wait3A_61 = arith.constant 0 : i32
    %dma_wait3A_62 = arith.constant 0 : i32
    %dma_wait3A_63 = tpu.memref_slice %arg7[%dma_wait3A_44, %dma_wait3A_60, %dma_wait3A_61, %dma_wait3A_62] : memref<4x4x8x128xf32, #tpu.memory_space<vmem>> -> memref<1x4x8x128xf32, #tpu.memory_space<vmem>>
    %dma_wait3A_64 = tpu.memref_squeeze %dma_wait3A_63 : memref<1x4x8x128xf32, #tpu.memory_space<vmem>> -> memref<4x8x128xf32, #tpu.memory_space<vmem>>
    tpu.wait_dma2 semaphore(%arg9 : memref<!tpu.dma_semaphore, #tpu.memory_space<semaphore_mem>>) src(%dma_wait3A_64 : memref<4x8x128xf32, #tpu.memory_space<vmem>>) dst(%dma_wait3A_59 : memref<4x8x128xf32, #tpu.memory_space<hbm>>)
    %mul3A_65 = arith.constant 4 : i32
    %mul3A_66 = arith.muli %add3A, %mul3A_65 : i32
    %dma_wait3A_67 = arith.constant 2 : i32
    %dma_wait3A_68 = arith.constant 0 : i32
    %dma_wait3A_69 = arith.constant 2 : i32
    %dma_wait3A_70 = arith.constant 0 : i32
    %dma_wait3A_71 = arith.constant 0 : i32
    %dma_wait3A_72 = arith.constant 0 : i32
    %dma_wait3A_73 = tpu.memref_slice %arg7[%dma_wait3A_67, %dma_wait3A_70, %dma_wait3A_71, %dma_wait3A_72] : memref<4x4x8x128xf32, #tpu.memory_space<vmem>> -> memref<1x4x8x128xf32, #tpu.memory_space<vmem>>
    %dma_wait3A_74 = tpu.memref_squeeze %dma_wait3A_73 : memref<1x4x8x128xf32, #tpu.memory_space<vmem>> -> memref<4x8x128xf32, #tpu.memory_space<vmem>>
    %dma_wait3A_75 = arith.constant 0 : i32
    %dma_wait3A_76 = arith.constant 0 : i32
    %dma_wait3A_77 = tpu.memref_slice %arg4[%dma_wait3A_68, %dma_wait3A_69, %mul3A_66, %dma_wait3A_75, %dma_wait3A_76] : memref<50x4x128x8x128xf32, #tpu.memory_space<hbm>> -> memref<1x1x4x8x128xf32, #tpu.memory_space<hbm>>
    %dma_wait3A_78 = tpu.memref_squeeze %dma_wait3A_77 : memref<1x1x4x8x128xf32, #tpu.memory_space<hbm>> -> memref<4x8x128xf32, #tpu.memory_space<hbm>>
    %dma_wait3A_79 = arith.constant 0 : i32
    %dma_wait3A_80 = arith.constant 0 : i32
    %dma_wait3A_81 = tpu.memref_slice %arg4[%dma_wait3A_68, %dma_wait3A_69, %mul3A_66, %dma_wait3A_79, %dma_wait3A_80] : memref<50x4x128x8x128xf32, #tpu.memory_space<hbm>> -> memref<1x1x4x8x128xf32, #tpu.memory_space<hbm>>
    %dma_wait3A_82 = tpu.memref_squeeze %dma_wait3A_81 : memref<1x1x4x8x128xf32, #tpu.memory_space<hbm>> -> memref<4x8x128xf32, #tpu.memory_space<hbm>>
    %dma_wait3A_83 = arith.constant 0 : i32
    %dma_wait3A_84 = arith.constant 0 : i32
    %dma_wait3A_85 = arith.constant 0 : i32
    %dma_wait3A_86 = tpu.memref_slice %arg7[%dma_wait3A_67, %dma_wait3A_83, %dma_wait3A_84, %dma_wait3A_85] : memref<4x4x8x128xf32, #tpu.memory_space<vmem>> -> memref<1x4x8x128xf32, #tpu.memory_space<vmem>>
    %dma_wait3A_87 = tpu.memref_squeeze %dma_wait3A_86 : memref<1x4x8x128xf32, #tpu.memory_space<vmem>> -> memref<4x8x128xf32, #tpu.memory_space<vmem>>
    tpu.wait_dma2 semaphore(%arg9 : memref<!tpu.dma_semaphore, #tpu.memory_space<semaphore_mem>>) src(%dma_wait3A_87 : memref<4x8x128xf32, #tpu.memory_space<vmem>>) dst(%dma_wait3A_82 : memref<4x8x128xf32, #tpu.memory_space<hbm>>)
    %mul3A_88 = arith.constant 4 : i32
    %mul3A_89 = arith.muli %add3A, %mul3A_88 : i32
    %dma_wait3A_90 = arith.constant 3 : i32
    %dma_wait3A_91 = arith.constant 0 : i32
    %dma_wait3A_92 = arith.constant 3 : i32
    %dma_wait3A_93 = arith.constant 0 : i32
    %dma_wait3A_94 = arith.constant 0 : i32
    %dma_wait3A_95 = arith.constant 0 : i32
    %dma_wait3A_96 = tpu.memref_slice %arg7[%dma_wait3A_90, %dma_wait3A_93, %dma_wait3A_94, %dma_wait3A_95] : memref<4x4x8x128xf32, #tpu.memory_space<vmem>> -> memref<1x4x8x128xf32, #tpu.memory_space<vmem>>
    %dma_wait3A_97 = tpu.memref_squeeze %dma_wait3A_96 : memref<1x4x8x128xf32, #tpu.memory_space<vmem>> -> memref<4x8x128xf32, #tpu.memory_space<vmem>>
    %dma_wait3A_98 = arith.constant 0 : i32
    %dma_wait3A_99 = arith.constant 0 : i32
    %dma_wait3A_100 = tpu.memref_slice %arg4[%dma_wait3A_91, %dma_wait3A_92, %mul3A_89, %dma_wait3A_98, %dma_wait3A_99] : memref<50x4x128x8x128xf32, #tpu.memory_space<hbm>> -> memref<1x1x4x8x128xf32, #tpu.memory_space<hbm>>
    %dma_wait3A_101 = tpu.memref_squeeze %dma_wait3A_100 : memref<1x1x4x8x128xf32, #tpu.memory_space<hbm>> -> memref<4x8x128xf32, #tpu.memory_space<hbm>>
    %dma_wait3A_102 = arith.constant 0 : i32
    %dma_wait3A_103 = arith.constant 0 : i32
    %dma_wait3A_104 = tpu.memref_slice %arg4[%dma_wait3A_91, %dma_wait3A_92, %mul3A_89, %dma_wait3A_102, %dma_wait3A_103] : memref<50x4x128x8x128xf32, #tpu.memory_space<hbm>> -> memref<1x1x4x8x128xf32, #tpu.memory_space<hbm>>
    %dma_wait3A_105 = tpu.memref_squeeze %dma_wait3A_104 : memref<1x1x4x8x128xf32, #tpu.memory_space<hbm>> -> memref<4x8x128xf32, #tpu.memory_space<hbm>>
    %dma_wait3A_106 = arith.constant 0 : i32
    %dma_wait3A_107 = arith.constant 0 : i32
    %dma_wait3A_108 = arith.constant 0 : i32
    %dma_wait3A_109 = tpu.memref_slice %arg7[%dma_wait3A_90, %dma_wait3A_106, %dma_wait3A_107, %dma_wait3A_108] : memref<4x4x8x128xf32, #tpu.memory_space<vmem>> -> memref<1x4x8x128xf32, #tpu.memory_space<vmem>>
    %dma_wait3A_110 = tpu.memref_squeeze %dma_wait3A_109 : memref<1x4x8x128xf32, #tpu.memory_space<vmem>> -> memref<4x8x128xf32, #tpu.memory_space<vmem>>
    tpu.wait_dma2 semaphore(%arg9 : memref<!tpu.dma_semaphore, #tpu.memory_space<semaphore_mem>>) src(%dma_wait3A_110 : memref<4x8x128xf32, #tpu.memory_space<vmem>>) dst(%dma_wait3A_105 : memref<4x8x128xf32, #tpu.memory_space<hbm>>)
    return
  }
}

</mosaic_0001>

<sc_bundles>
// kernel: kernel.3.cloned.1.call-start
scs
__scs_entry_jumppad:
0x0: {  	(pc) =	sbr.rel $0x88, $3  }
0x1: {  	(tag) =	ssettag $0x0;
	lr =	simm.s32 $0x1  }
0x2: {  	[smem:$0x3F9F] =	sst lr;
	_ =	strace $0xD0000000  }
0x3: {  	_ = 	snop  }
0x4: {  	_ = 	snop  }
0x5: {  	_ = 	snop  }
0x6: {  	_ = 	snop  }
0x7: {  	_ = 	snop  }
__scs_overlays_trampoline_lowered:
0x8: {  	[smem:$0x3FAE] =	sst s0  }
0x9: {  	[smem:$0x3FAF] =	sst s1  }
0xa: {  	[smem:$0x3FB0] =	sst s2  }
0xb: {  	[smem:$0x3FB1] =	sst s3  }
0xc: {  	[smem:$0x3FB2] =	sst s4  }
0xd: {  	[smem:$0x3FB3] =	sst s5  }
0xe: {  	[smem:$0x3FB4] =	sst s6  }
0xf: {  	[smem:$0x3FB5] =	sst s7  }
0x10: {  	[smem:$0x3FB6] =	sst s8  }
0x11: {  	[smem:$0x3FB7] =	sst s9;
	s0 =	simm.s32 @!p0 $0x0  }
0x12: {  	s1 =	sld [smem:$0x3F9D];
	s0 =	simm.s32 @p0 $0x1  }
0x13: {  	[smem:$0x3FB8] =	sst s0;
	s0 =	simm.s32 @!p1 $0x0  }
0x14: {  	s2 =	sld [smem:$0x3F9C];
	s0 =	simm.s32 @p1 $0x1  }
0x15: {  	[smem:$0x3FB9] =	sst s0;
	s0 =	simm.s32 @!p2 $0x0  }
0x16: {  	s3 =	sld [smem:$0x3FDB];
	s0 =	simm.s32 @p2 $0x1  }
0x17: {  	s4 =	simm.s32 $0x1BF5;
	[smem:$0x3FBB] =	sst s0  }
0x18: {  	s0 =	sld [smem:$0x3F9E];
	_ =	swait.ge [sflag:s4], $0x0  }
0x19: {  	s7 =	sld [smem:$0x3F9F]  }
0x1a: {  	s8 =	sadd.s32 $0xFFFFE003, lr  }
0x1b: {  	s9 =	sadd.s32 $0xFFFFFEF7, lr;
	s5 =	simm.s32 $0xFFFFFFFF;
	p2 =	slt.u32 s8, $0xFFFFF086  }
0x1c: {  	p1 =	slt.u32 s9, $0xF7A;
	s5 =	simm.s32 @!p2 $0x0  }
0x1d: {  	s5 =	simm.s32 @p1 $0x1;
	p0 =	seq.s32 s7, s2  }
0x1e: {  	s7 =	smul.u32 @!p0 $0xF7A, s2;
	p2 =	seq.s32 @!p0 s5, $0x0  }
0x1f: {  	s9 =	smul.u32 $0xF7A, s1;
	s8 =	simm.s32 @!p0 $0x1BF5;
	p2 =	por !p2, p0  }
0x20: {  	[sflag:s8] =	ssyncset.s32 @!p0 $0xFFFFF086;
	s6 =	sadd.s32 @!p0 s3, s7;
	s7 =	simm.s32 @!p0 $0x108  }
0x21: {  	s3 =	sadd.s32 s3, s9;
	s6 =	sadd.s32 @!p0 $0x88, s6;
	s7 =	simm.s32 @p2 $0x1082  }
0x22: {  	[simem:s7], [sflag:s8] =	dma.local @!p0 [hbm:s6], $0xF7A  }
0x23: {  	s9 =	sor.u32 $0xD0000000, s2;
	s6 =	simm.s32 $0x108;
	_ =	swait.ge @!p0 [sflag:s8], $0x0  }
0x24: {  	s3 =	sadd.s32 $0x88, s3;
	s6 =	simm.s32 @!p1 $0x1082;
	[sflag:s4] =	ssyncset.s32 $0xFFFFF086  }
0x25: {  	[simem:s6], [sflag:s4] =	dma.local [hbm:s3], $0xF7A  }
0x26: {  	[smem:$0x3F9F] =	sst s1;
	(tag) =	ssettag s2;
	_ =	strace s9  }
0x27: {  	s1 =	sld [smem:$0x3FAF]  }
0x28: {  	s2 =	sld [smem:$0x3FB0]  }
0x29: {  	s4 =	sld [smem:$0x3FB2]  }
0x2a: {  	p0 =	seq.s32 s5, $0x0;
	s5 =	sld [smem:$0x3FB3]  }
0x2b: {  	s6 =	sld [smem:$0x3FB4]  }
0x2c: {  	s7 =	sld [smem:$0x3FB5]  }
0x2d: {  	s3 =	simm.s32 $0x108;
	s8 =	sld [smem:$0x3FB6]  }
0x2e: {  	s3 =	simm.s32 @!p0 $0x1082;
	s9 =	sld [smem:$0x3FB7]  }
0x2f: {  	lr =	sadd.s32 s0, s3;
	s0 =	sld [smem:$0x3FAE]  }
0x30: {  	s3 =	sld [smem:$0x3FB1]  }
0x31: {  	[smem:$0x3FBA] =	sst s10  }
0x32: {  	s10 =	sld [smem:$0x3FB8];
	_ =	sdelay $0x3  }
0x33: {  	p0 =	seq.s32 s10, $0x1;
	s10 =	sld [smem:$0x3FBA];
	_ =	sdelay $0x3  }
0x34: {  	[smem:$0x3FBA] =	sst s10  }
0x35: {  	s10 =	sld [smem:$0x3FB9];
	_ =	sdelay $0x3  }
0x36: {  	p1 =	seq.s32 s10, $0x1;
	s10 =	sld [smem:$0x3FBA];
	_ =	sdelay $0x3  }
0x37: {  	[smem:$0x3FBA] =	sst s10  }
0x38: {  	s10 =	sld [smem:$0x3FBB]  }
0x39: {  	_ = 	snop;
	(pc) =	sbr.ind lr, $3  }
0x3a: {  	_ = 	snop  }
0x3b: {  	_ = 	snop  }
0x3c: {  	p2 =	seq.s32 s10, $0x1;
	s10 =	sld [smem:$0x3FBA]  }
0x3d: {  	_ =	shalt  }
0x3e: {  	_ =	shalt  }
0x3f: {  	_ =	shalt  }
0x40: {  	_ =	shalt  }
0x41: {  	_ =	shalt  }
0x42: {  	_ =	shalt  }
0x43: {  	_ =	shalt  }
0x44: {  	_ =	shalt  }
0x45: {  	_ =	shalt  }
0x46: {  	_ =	shalt  }
0x47: {  	_ =	shalt  }
0x48: {  	_ =	shalt  }
0x49: {  	_ =	shalt  }
0x4a: {  	_ =	shalt  }
0x4b: {  	_ =	shalt  }
0x4c: {  	_ =	shalt  }
0x4d: {  	_ =	shalt  }
0x4e: {  	_ =	shalt  }
0x4f: {  	_ =	shalt  }
0x50: {  	_ =	shalt  }
0x51: {  	_ =	shalt  }
0x52: {  	_ =	shalt  }
0x53: {  	_ =	shalt  }
0x54: {  	_ =	shalt  }
0x55: {  	_ =	shalt  }
0x56: {  	_ =	shalt  }
0x57: {  	_ =	shalt  }
0x58: {  	_ =	shalt  }
0x59: {  	_ =	shalt  }
0x5a: {  	_ =	shalt  }
0x5b: {  	_ =	shalt  }
0x5c: {  	_ =	shalt  }
0x5d: {  	_ =	shalt  }
0x5e: {  	_ =	shalt  }
0x5f: {  	_ =	shalt  }
0x60: {  	_ =	shalt  }
0x61: {  	_ =	shalt  }
0x62: {  	_ =	shalt  }
0x63: {  	_ =	shalt  }
0x64: {  	_ =	shalt  }
0x65: {  	_ =	shalt  }
0x66: {  	_ =	shalt  }
0x67: {  	_ =	shalt  }
0x68: {  	_ =	shalt  }
0x69: {  	_ =	shalt  }
0x6a: {  	_ =	shalt  }
0x6b: {  	_ =	shalt  }
0x6c: {  	_ =	shalt  }
0x6d: {  	_ =	shalt  }
0x6e: {  	_ =	shalt  }
0x6f: {  	_ =	shalt  }
0x70: {  	_ =	shalt  }
0x71: {  	_ =	shalt  }
0x72: {  	_ =	shalt  }
0x73: {  	_ =	shalt  }
0x74: {  	_ =	shalt  }
0x75: {  	_ =	shalt  }
0x76: {  	_ =	shalt  }
0x77: {  	_ =	shalt  }
0x78: {  	_ =	shalt  }
0x79: {  	_ =	shalt  }
0x7a: {  	_ =	shalt  }
0x7b: {  	_ =	shalt  }
0x7c: {  	_ =	shalt  }
0x7d: {  	_ =	shalt  }
0x7e: {  	_ =	shalt  }
0x7f: {  	_ =	shalt  }
0x80: {  	_ =	shalt  }
0x81: {  	_ =	shalt  }
0x82: {  	_ =	shalt  }
0x83: {  	_ =	shalt  }
0x84: {  	_ =	shalt  }
0x85: {  	_ =	shalt  }
0x86: {  	_ =	shalt  }
0x87: {  	_ =	shalt  }
.Lfunc_end0:
.L_simem_size_0:
called_computation_lowered:
.L_overlay_start_0:
0x88: {  	s2 =	sld [smem:$0x3FD9]  }
0x89: {  	s3 =	sld [smem:$0x3FFE];
	_ =	sdelay $0x1  }
0x8a: {  	s1 =	srdreg.scid  }
0x8b: {  	s0 =	sand.u32 $0x1, s1  }
0x8c: {  	s17 =	sshll.u32 s0, $0xA;
	s2 =	sadd.s32 s3, s2  }
0x8d: {  	s2 =	sadd.s32 s2, s17  }
0x8e: {  	[smem:$0x3FC6] =	sst s2  }
0x8f: {  	_ = 	snop  }
0x90: {  	s2 =	sld [smem:$0x3FD0];
	(tm) =	ssettm $0x1  }
0x91: {  	s18 =	sld [smem:$0x3FFB];
	_ =	sdelay $0x3  }
0x92: {  	_ =	strace s18  }
0x93: {  	s3 =	sld [smem:$0x3FFC];
	_ =	sdelay $0x3  }
0x94: {  	_ =	strace s3  }
0x95: {  	s3 =	sld [smem:$0x3FFD];
	_ =	sdelay $0x3  }
0x96: {  	_ =	strace s3  }
0x97: {  	_ =	strace $0x8FFFFFFF  }
0x98: {  	s19 =	sld [smem:$0x3FDB];
	_ =	sdelay $0x1  }
0x99: {  	s4 =	simm.s32 $_scs_section_size  }
0x9a: {  	s5 =	simm.s32 $_size__tile_overlayer_lowered;
	s6 =	simm.s32 $_tile_overlayer_lowered  }
0x9b: {  	s22 =	simm.s32 $0x1BFF;
	s21 =	sshll.u32 s6, $0x1;
	s3 =	sadd.s32 s4, s19  }
0x9c: {  	s7 =	simm.s32 $0x0;
	s20 =	sshll.u32 s5, $0x1;
	s5 =	sadd.s32 s21, s3  }
0x9d: {  	[timem:s7], [sflag:s22] =	dma.local [hbm:s5], s20  }
0x9e: {  	_ =	swait.ge [sflag:s22], s20  }
0x9f: {  	s4 =	ssub.s32 $0x0, s20;
	[sflag:s22] =	ssyncset.done $0x0  }
0xa0: {  	[sflag:s22] =	ssyncadd.s32 s4;
	_ =	sdelay $0x1  }
0xa1: {  	s23 =	simm.s32 $0x1B8B  }
0xa2: {  	_ =	swait.ge [sflag:s23], $0x1  }
0xa3: {  	[sflag:s23] =	ssyncset.done $0x0  }
0xa4: {  	s25 =	simm.s32 $0x1B8E;
	s24 =	sld [smem:$0x3FFE];
	[sflag:s23] =	ssyncadd.s32 $0xFFFFFFFF  }
0xa5: {  	s26 =	simm.s32 $execute0_lowered;
	[smem:$0x3FD2] =	sst s25  }
0xa6: {  	s5 =	sshll.u32 s26, $0x1;
	_ =	strace $0x80000046;
	[dreg:$0x1] =	wrdreg $0xFFFFFFFF  }
0xa7: {  	s28 =	simm.s32 $_size_execute0_lowered;
	s3 =	sadd.s32 s3, s5;
	[dreg:$0x0] =	wrdreg $0x0  }
0xa8: {  	s5 =	sshll.u32 s28, $0x1;
	[dreg:$0x2] =	wrdreg s3  }
0xa9: {  	[dreg:$0x3] =	wrdreg s5  }
0xaa: {  	[dreg:$0x4] =	wrdreg $0xC0  }
0xab: {  	_ =	task [dreg:s7], $0x5FFFF  }
0xac: {  	[dreg:$0x1] =	wrdreg $0xFFFFFFFF  }
0xad: {  	[dreg:$0x0] =	wrdreg $0x60  }
0xae: {  	[dreg:$0x2] =	wrdreg s24  }
0xaf: {  	[dreg:$0x3] =	wrdreg s2  }
0xb0: {  	[dreg:$0x4] =	wrdreg $0x9  }
0xb1: {  	_ =	task.clear_ibuf [dreg:s7], $0x5FFFF;
	_ =	strace $0x90000046  }
0xb2: {  	s29 =	simm.s32 $0x9;
	_ =	strace $0x80000048  }
0xb3: {  	_ =	swait.ge [sflag:s29], $0x1  }
0xb4: {  	[sflag:s29] =	ssyncadd.s32 $0xFFFFFFFF  }
0xb5: {  	_ =	strace $0x90000048  }
0xb6: {  	_ =	sfence  }
0xb7: {  	s30 =	sld [smem:$0x0];
	_ =	sdelay $0x2  }
0xb8: {  	s31 =	sshll.u32 s1, $0xD;
	s1 =	sshrl.u32 s1, $0x2  }
0xb9: {  	s3 =	sand.u32 $0x4000, s31;
	s1 =	sadd.s32 s1, s30  }
0xba: {  	s0 =	sor.u32 s3, s0;
	s1 =	sshll.u32 s1, $0x11  }
0xbb: {  	s0 =	sor.u32 s1, s0  }
0xbc: {  	s0 =	sadd.s32 $0x8F2B, s0  }
0xbd: {  	[sflag:s0] =	ssyncadd.remote.s32 $0x1  }
0xbe: {  	_ =	sfence.sel $0xFFFF  }
0xbf: {  	[dreg:$0x0] =	wrdreg $0xFFFFFFFF;
	(pc) =	sbr.abs _section_cstart, $3  }
0xc0: {  	[dreg:$0x1] =	wrdreg $0xFFFFFFFF  }
0xc1: {  	_ =	task.clear_ibuf [dreg:s7], $0x2FFFF;
	_ =	strace $0x9FFFFFFF  }
0xc2: {  	(tm) =	ssettm $0x7FFFFFFF  }
0xc3: {  	_ =	shalt  }
tec
execute0_lowered:
.L_overlay_start_1:
0x0: {  	(tag) =	ssettag $0x1  }
0x1: {  	s0 =	rddreg [dreg:$0x0];
	s1 =	srdreg.scid  }
0x2: {  	s2 =	stileid.u32;
	s9 =	rddreg [dreg:$0x1];
	s3 =	simm.s32 $0x0  }
0x3: {  	s14 =	simm.s32 $0x6400;
	s16 =	simm.s32 $0xF400;
	s17 =	simm.s32 $0x10400  }
0x4: {  	s18 =	simm.s32 $0x11400;
	s1 =	sand.u32 $0x1, s1;
	s4 =	sshll.u32 s2, $0x1  }
0x5: {  	v0 =	vlaneseq.u32;
	[smem:$0x7FF] =	sst s3;
	s8 =	sadd.s32 $0x8000, s9;
	s5 =	sor.u32 s1, s4  }
0x6: {  	v0 =	vmul.u32 $0x20, v0;
	s2 =	simm.s32 $0x0;
	s1 =	ssub.s32 $0x2, s1;
	s4 =	sshll.u32 s5, $0x6  }
0x7: {  	_ =	strace $0x80000047;
	s7 =	sshrl.u32 s1, $0x1;
	s6 =	sadd.s32 s4, s0  }
0x8: {  	v1 =	vor.u32 $0xE00, v0;
	s4 =	sadd.s32 $0xF42A00, s0;
	s30 =	ssub.s32 s1, s7;
	s31 =	sadd.s32 $0x600, s6  }
0x9: {  	v2 =	vor.u32 $0xC00, v0;
	v3 =	vor.u32 $0xA00, v0;
	v4 =	vor.u32 $0x800, v0;
	s7 =	sadd.s32 $0x4000, s9;
	s0 =	smax.u32 s30, $0x1;
	[dreg:$0x3] =	wrdreg s31  }
0xa: {  	v5 =	vor.u32 $0x600, v0;
	v6 =	vor.u32 $0x400, v0;
	v7 =	vor.u32 $0x200, v0;
	s9 =	sadd.s32 $0xC000, s9;
	s6 =	sshll.u32 s5, $0x9;
	[dreg:$0x4] =	wrdreg s0  }
.LBB2_1:
0xb: {  	[dreg:$0x5] =	wrdreg s2  }
0xc: {  	s0 =	rddreg [dreg:$0x3]  }
0xd: {  	s1 =	simm.s32 $0x200;
	s30 =	simm.s32 $0x4000;
	s31 =	simm.s32 $0x4  }
0xe: {  	[tilespmem:s3], [sflag:$0x4] =	stream.strided.gather [hbm4b:s0+s1], $0x6400, s30, s1, $0x38;
	[tilespmem:$0x12400] =	vst v63  }
0xf: {  	_ =	swait.ge [sflag:s31], $0x6400  }
0x10: {  	[sflag:s31] =	ssyncset.done $0x0  }
0x11: {  	s22 =	simm.s32 $0x0;
	[sflag:s31] =	ssyncadd.s32 $0xFFFF9C00  }
0x12: {  	[tilespmem:s14], [sflag:$0x1] =	stream.indirect.gather [hbm4b:s4+s1], $0x20, s3, s1, $0xb8;
	[tilespmem:$0x12400] =	vst v63  }
.LBB2_2:
0x13: {  	s0 =	sand.u32 $0x1, s22;
	p0 =	seq.s32 s22, $0x31  }
0x14: {  	s21 =	sadd.s32 $0x1, s22;
	s1 =	sxor.u32 @!p0 $0x1, s0  }
0x15: {  	s10 =	sshll.u32 @!p0 s21, $0x9;
	s11 =	simm.s32 @!p0 $0x200;
	s5 =	sshll.u32 @!p0 s1, $0xE  }
0x16: {  	s10 =	sand.u32 @!p0 $0x3FFFFE00, s10;
	s1 =	sadd.s32 @!p0 $0x1, s1;
	s5 =	sadd.s32 @!p0 $0x6400, s5  }
0x17: {  	[tilespmem:s5], [sflag:s1] =	stream.indirect.gather @!p0 [hbm4b:s4+s11], $0x20, s10, s11, $0xb8;
	[tilespmem:$0x12400] =	vst v63  }
0x18: {  	s10 =	sadd.s32 $0x1, s0  }
0x19: {  	s12 =	simm.s32 $0x0;
	s13 =	simm.s32 $0x0;
	_ =	swait.ge [sflag:s10], $0x4000  }
0x1a: {  	s23 =	sshll.u32 s0, $0x9;
	p0 =	seq.s32 s22, $0x0;
	[sflag:s10] =	ssyncset.done $0x0  }
0x1b: {  	s11 =	simm.s32 $0x0;
	s1 =	simm.s32 @!p0 $0x3;
	[sflag:s10] =	ssyncadd.s32 $0xFFFFC000  }
0x1c: {  	s5 =	sand.u32 $0x4, s11;
	s11 =	sand.u32 $0x3FFFFFF8, s13;
	_ =	swait.ge @!p0 [sflag:s1], $0x1000  }
0x1d: {  	s10 =	sand.u32 $0x3, s12;
	s12 =	sor.u32 $0x1, s5;
	[sflag:s1] =	ssyncset.done @!p0 $0x0  }
0x1e: {  	s15 =	sshll.u32 s10, $0x7;
	s13 =	sor.u32 s12, s11;
	[sflag:s1] =	ssyncadd.s32 @!p0 $0xFFFFF000  }
0x1f: {  	s0 =	sor.u32 s23, s15;
	v8 =	vmov s13;
	_ =	swait.ge @!p0 [sflag:s1], $0x1000  }
0x20: {  	s19 =	sor.u32 s5, s11;
	v9 =	vmov s0;
	v8 =	vand.u32 $0x1D, v8;
	[sflag:s1] =	ssyncset.done @!p0 $0x0  }
0x21: {  	v15 =	vshll.u32 v9, $0x5;
	v13 =	vbroadcast v8, $0x0;
	v9 =	vmov s19;
	[sflag:s1] =	ssyncadd.s32 @!p0 $0xFFFFF000  }
0x22: {  	v8 =	vor.u32 v0, v15;
	v9 =	vand.u32 $0x1C, v9;
	_ =	swait.ge @!p0 [sflag:s1], $0x1000  }
0x23: {  	v10 =	vor.u32 v8, v13;
	v18 =	vbroadcast v9, $0x0;
	[sflag:s1] =	ssyncset.done @!p0 $0x0  }
0x24: {  	s20 =	sor.u32 $0x3, s5;
	[sflag:s1] =	ssyncadd.s32 @!p0 $0xFFFFF000  }
0x25: {  	s24 =	sor.u32 s20, s11;
	v11 =	vor.u32 v8, v18;
	_ =	swait.ge @!p0 [sflag:s1], $0x1000  }
0x26: {  	v9 =	vmov s24;
	[sflag:s1] =	ssyncset.done @!p0 $0x0  }
0x27: {  	v9 =	vand.u32 $0x1F, v9;
	[sflag:s1] =	ssyncadd.s32 @!p0 $0xFFFFF000  }
0x28: {  	s25 =	simm.s32 $0x0;
	v14 =	vbroadcast v9, $0x0;
	v9 =	vor.u32 v7, v15;
	v10 =	vld.idx.msk [tilespmem:v10+s14+$0x0], $0xffff  }
0x29: {  	s26 =	sshll.u32 s10, $0xA;
	s0 =	sand.u32 $0x3FFFF000, s25;
	v12 =	vor.u32 v9, v13  }
0x2a: {  	s0 =	sor.u32 s0, s26;
	v16 =	vor.u32 v8, v14;
	v11 =	vld.idx.msk [tilespmem:v11+s14+$0x0], $0xffff  }
0x2b: {  	s2 =	sshll.u32 s12, $0x7;
	s10 =	sadd.s32 $0xE400, s0;
	v17 =	vor.u32 v9, v18  }
0x2c: {  	s19 =	sor.u32 $0x2, s5;
	s0 =	sor.u32 s2, s10  }
0x2d: {  	s12 =	sshll.u32 s5, $0x7;
	s11 =	sor.u32 s19, s11;
	[tilespmem:s0+$0x0] =	vst v10  }
0x2e: {  	v20 =	vor.u32 v6, v15;
	s25 =	sor.u32 s12, s10;
	v10 =	vmov s11;
	v12 =	vld.idx.msk [tilespmem:v12+s14+$0x0], $0xffff  }
0x2f: {  	v21 =	vor.u32 v20, v13;
	v16 =	vld.idx.msk [tilespmem:v16+s14+$0x0], $0xffff;
	[tilespmem:s25+$0x0] =	vst v11;
	v10 =	vand.u32 $0x1E, v10  }
0x30: {  	v11 =	vld.idx.msk [tilespmem:v17+s14+$0x0], $0xffff;
	v19 =	vbroadcast v10, $0x0;
	v10 =	vor.u32 v9, v14  }
0x31: {  	v17 =	vor.u32 v20, v18  }
0x32: {  	s15 =	sshll.u32 s20, $0x7;
	s20 =	simm.s32 $0x4;
	s26 =	simm.s32 $0x1;
	v8 =	vor.u32 v8, v19  }
0x33: {  	s24 =	simm.s32 $0x0;
	s1 =	sand.u32 $0x4, s20;
	s11 =	sor.u32 s15, s10;
	[tilespmem:s0+$0x10] =	vst v12  }
0x34: {  	s26 =	sand.u32 $0x3FFFFFF8, s26;
	s24 =	sand.u32 $0x3, s24;
	s12 =	sor.u32 $0x1, s1;
	[tilespmem:s11+$0x0] =	vst v16;
	v16 =	vor.u32 v5, v15;
	v12 =	vld.idx.msk [tilespmem:v21+s14+$0x0], $0xffff  }
0x35: {  	s5 =	sshll.u32 s24, $0x7;
	s13 =	sor.u32 s12, s26;
	[tilespmem:s25+$0x10] =	vst v11;
	v21 =	vor.u32 v16, v13;
	v22 =	vld.idx.msk [tilespmem:v10+s14+$0x0], $0xffff  }
0x36: {  	s5 =	sor.u32 s23, s5;
	v23 =	vor.u32 v9, v19;
	v9 =	vor.u32 v20, v14;
	v10 =	vmov s13;
	v17 =	vld.idx.msk [tilespmem:v17+s14+$0x0], $0xffff  }
0x37: {  	s2 =	sor.u32 $0x2, s1;
	v10 =	vand.u32 $0x1D, v10;
	v24 =	vld.idx.msk [tilespmem:v8+s14+$0x0], $0xffff;
	v8 =	vmov s5  }
0x38: {  	s28 =	sor.u32 s2, s26;
	v25 =	vor.u32 v16, v18;
	v10 =	vbroadcast v10, $0x0;
	v11 =	vshll.u32 v8, $0x5  }
0x39: {  	v26 =	vor.u32 v4, v15;
	s29 =	sor.u32 s1, s26;
	v8 =	vmov s28;
	v28 =	vor.u32 v0, v11;
	[tilespmem:s0+$0x20] =	vst v12  }
0x3a: {  	s19 =	sshll.u32 s19, $0x7;
	s15 =	sor.u32 $0x3, s1;
	v8 =	vand.u32 $0x1E, v8;
	[tilespmem:s11+$0x10] =	vst v22;
	v12 =	vmov s29;
	v22 =	vor.u32 v28, v10;
	v21 =	vld.idx.msk [tilespmem:v21+s14+$0x0], $0xffff  }
0x3b: {  	v27 =	vor.u32 v26, v13;
	s30 =	sor.u32 s19, s10;
	s26 =	sor.u32 s15, s26;
	v8 =	vbroadcast v8, $0x0;
	[tilespmem:s25+$0x20] =	vst v17;
	v30 =	vld.idx.msk [tilespmem:v9+s14+$0x0], $0xffff;
	v9 =	vand.u32 $0x1C, v12  }
0x3c: {  	v29 =	vmov s26;
	[tilespmem:s30+$0x0] =	vst v24;
	v24 =	vor.u32 v16, v14;
	v9 =	vbroadcast v9, $0x0  }
0x3d: {  	v12 =	vand.u32 $0x1F, v29;
	v25 =	vld.idx.msk [tilespmem:v25+s14+$0x0], $0xffff;
	v17 =	vor.u32 v28, v8  }
0x3e: {  	v12 =	vbroadcast v12, $0x0;
	v23 =	vld.idx.msk [tilespmem:v23+s14+$0x0], $0xffff;
	v29 =	vor.u32 v28, v9  }
0x3f: {  	s20 =	simm.s32 $0x200;
	v20 =	vor.u32 v20, v19;
	v22 =	vld.idx.msk [tilespmem:v22+s14+$0x0], $0xffff;
	[tilespmem:s0+$0x30] =	vst v21  }
0x40: {  	s10 =	sand.u32 $0x3FFFF000, s20;
	s26 =	sshll.u32 s24, $0xA;
	v21 =	vor.u32 v28, v12;
	v28 =	vor.u32 v7, v11;
	[tilespmem:s11+$0x20] =	vst v30;
	v27 =	vld.idx.msk [tilespmem:v27+s14+$0x0], $0xffff  }
0x41: {  	s10 =	sor.u32 s10, s26;
	v30 =	vor.u32 v28, v10;
	v24 =	vld.idx.msk [tilespmem:v24+s14+$0x0], $0xffff  }
0x42: {  	v31 =	vor.u32 v26, v18;
	s12 =	sshll.u32 s12, $0x7;
	s10 =	sadd.s32 $0xE400, s10;
	[tilespmem:s25+$0x30] =	vst v25;
	v17 =	vld.idx.msk [tilespmem:v17+s14+$0x0], $0xffff  }
0x43: {  	s28 =	sor.u32 s12, s10;
	[tilespmem:s30+$0x10] =	vst v23;
	v23 =	vor.u32 v26, v14;
	v29 =	vld.idx.msk [tilespmem:v29+s14+$0x0], $0xffff  }
0x44: {  	v32 =	vor.u32 v28, v8;
	v20 =	vld.idx.msk [tilespmem:v20+s14+$0x0], $0xffff;
	[tilespmem:s28+$0x0] =	vst v22  }
0x45: {  	s2 =	sshll.u32 s2, $0x7;
	v22 =	vor.u32 v28, v9;
	v21 =	vld.idx.msk [tilespmem:v21+s14+$0x0], $0xffff;
	[tilespmem:s0+$0x40] =	vst v27  }
0x46: {  	s1 =	sshll.u32 s1, $0x7;
	s24 =	sor.u32 s2, s10;
	v16 =	vor.u32 v16, v19;
	v25 =	vld.idx.msk [tilespmem:v30+s14+$0x0], $0xffff;
	[tilespmem:s11+$0x30] =	vst v24  }
0x47: {  	s26 =	sor.u32 s1, s10;
	v28 =	vor.u32 v28, v12;
	v30 =	vor.u32 v6, v11;
	v24 =	vld.idx.msk [tilespmem:v31+s14+$0x0], $0xffff;
	[tilespmem:s24+$0x0] =	vst v17  }
0x48: {  	s12 =	sshll.u32 s15, $0x7;
	v27 =	vor.u32 v30, v10;
	v17 =	vld.idx.msk [tilespmem:v23+s14+$0x0], $0xffff;
	v23 =	vor.u32 v3, v15;
	[tilespmem:s26+$0x0] =	vst v29  }
0x49: {  	s29 =	sor.u32 s12, s10;
	v29 =	vld.idx.msk [tilespmem:v32+s14+$0x0], $0xffff;
	v31 =	vor.u32 v23, v13;
	[tilespmem:s30+$0x20] =	vst v20  }
0x4a: {  	v20 =	vor.u32 v23, v14;
	v22 =	vld.idx.msk [tilespmem:v22+s14+$0x0], $0xffff;
	[tilespmem:s29+$0x0] =	vst v21  }
0x4b: {  	v54 =	vor.u32 v30, v9;
	v16 =	vld.idx.msk [tilespmem:v16+s14+$0x0], $0xffff;
	[tilespmem:s28+$0x10] =	vst v25  }
0x4c: {  	v25 =	vor.u32 v23, v18;
	[tilespmem:s25+$0x40] =	vst v24;
	v28 =	vld.idx.msk [tilespmem:v28+s14+$0x0], $0xffff  }
0x4d: {  	v26 =	vor.u32 v26, v19;
	v21 =	vor.u32 v5, v11;
	v27 =	vld.idx.msk [tilespmem:v27+s14+$0x0], $0xffff;
	[tilespmem:s11+$0x40] =	vst v17  }
0x4e: {  	v24 =	vor.u32 v21, v10;
	v17 =	vld.idx.msk [tilespmem:v31+s14+$0x0], $0xffff;
	[tilespmem:s24+$0x10] =	vst v29  }
0x4f: {  	v31 =	vor.u32 v30, v12;
	v29 =	vor.u32 v2, v15;
	v20 =	vld.idx.msk [tilespmem:v20+s14+$0x0], $0xffff;
	[tilespmem:s26+$0x10] =	vst v22  }
0x50: {  	v36 =	vor.u32 v1, v15;
	s1 =	simm.s32 $0x8;
	s13 =	simm.s32 $0x1;
	v22 =	vor.u32 v29, v13;
	[tilespmem:s30+$0x30] =	vst v16;
	v32 =	vld.idx.msk [tilespmem:v54+s14+$0x0], $0xffff  }
0x51: {  	v38 =	vor.u32 v36, v13;
	s19 =	sand.u32 $0x3, s13;
	s5 =	sand.u32 $0x4, s1;
	s15 =	simm.s32 $0x2;
	v35 =	vor.u32 v29, v14;
	v25 =	vld.idx.msk [tilespmem:v25+s14+$0x0], $0xffff;
	[tilespmem:s29+$0x10] =	vst v28  }
0x52: {  	s31 =	sand.u32 $0x3FFFFFF8, s15;
	v37 =	vor.u32 v4, v11;
	s12 =	sor.u32 $0x1, s5;
	s10 =	sshll.u32 s19, $0x7;
	v33 =	vor.u32 v21, v9;
	v26 =	vld.idx.msk [tilespmem:v26+s14+$0x0], $0xffff;
	[tilespmem:s28+$0x20] =	vst v27  }
0x53: {  	s20 =	sor.u32 s23, s10;
	s2 =	sor.u32 s12, s31;
	v23 =	vor.u32 v23, v19;
	v34 =	vor.u32 v21, v12;
	v24 =	vld.idx.msk [tilespmem:v24+s14+$0x0], $0xffff;
	[tilespmem:s0+$0x50] =	vst v17  }
0x54: {  	s13 =	sor.u32 $0x2, s5;
	s10 =	sor.u32 $0x3, s5;
	v15 =	vmov s20;
	v16 =	vmov s2;
	v27 =	vor.u32 v29, v18;
	v31 =	vld.idx.msk [tilespmem:v31+s14+$0x0], $0xffff;
	[tilespmem:s11+$0x50] =	vst v20  }
0x55: {  	s15 =	sor.u32 s13, s31;
	s20 =	sor.u32 s10, s31;
	s31 =	sor.u32 s5, s31;
	v15 =	vshll.u32 v15, $0x5;
	v13 =	vand.u32 $0x1D, v16;
	v28 =	vor.u32 v37, v10;
	v22 =	vld.idx.msk [tilespmem:v22+s14+$0x0], $0xffff;
	[tilespmem:s26+$0x20] =	vst v32  }
0x56: {  	v16 =	vbroadcast v13, $0x0;
	v13 =	vmov s31;
	v55 =	vld.idx.msk [tilespmem:v35+s14+$0x0], $0xffff;
	[tilespmem:s25+$0x50] =	vst v25;
	v25 =	vmov s15  }
0x57: {  	v56 =	vand.u32 $0x1C, v13;
	v20 =	vor.u32 v0, v15;
	[tilespmem:s30+$0x40] =	vst v26;
	v33 =	vld.idx.msk [tilespmem:v33+s14+$0x0], $0xffff;
	v25 =	vand.u32 $0x1E, v25  }
0x58: {  	v17 =	vmov s20;
	v23 =	vld.idx.msk [tilespmem:v23+s14+$0x0], $0xffff;
	v13 =	vbroadcast v25, $0x0;
	v25 =	vor.u32 v20, v16  }
0x59: {  	v17 =	vand.u32 $0x1F, v17;
	v27 =	vld.idx.msk [tilespmem:v27+s14+$0x0], $0xffff;
	[tilespmem:s28+$0x30] =	vst v24;
	v24 =	vor.u32 v36, v14;
	v14 =	vbroadcast v56, $0x0  }
0x5a: {  	v17 =	vbroadcast v17, $0x0;
	[tilespmem:s29+$0x20] =	vst v31;
	v28 =	vld.idx.msk [tilespmem:v28+s14+$0x0], $0xffff;
	v26 =	vor.u32 v20, v13  }
0x5b: {  	v34 =	vld.idx.msk [tilespmem:v34+s14+$0x0], $0xffff;
	[tilespmem:s0+$0x60] =	vst v22;
	v31 =	vor.u32 v20, v14  }
0x5c: {  	[tilespmem:s11+$0x60] =	vst v55;
	v20 =	vor.u32 v20, v17;
	v22 =	vld.idx.msk [tilespmem:v38+s14+$0x0], $0xffff  }
0x5d: {  	[tilespmem:s30+$0x50] =	vst v23;
	v23 =	vor.u32 v37, v12;
	v25 =	vld.idx.msk [tilespmem:v25+s14+$0x0], $0xffff  }
0x5e: {  	s15 =	simm.s32 $0x400;
	[tilespmem:s25+$0x60] =	vst v27;
	v27 =	vor.u32 v29, v19;
	v24 =	vld.idx.msk [tilespmem:v24+s14+$0x0], $0xffff  }
0x5f: {  	s19 =	sshll.u32 s19, $0xA;
	v57 =	vor.u32 v7, v15;
	s2 =	sand.u32 $0x3FFFF000, s15;
	[tilespmem:s26+$0x30] =	vst v33;
	v29 =	vor.u32 v37, v9;
	v26 =	vld.idx.msk [tilespmem:v26+s14+$0x0], $0xffff  }
0x60: {  	v58 =	vor.u32 v57, v16;
	s2 =	sor.u32 s2, s19;
	[tilespmem:s28+$0x40] =	vst v28;
	v28 =	vor.u32 v30, v8;
	v30 =	vld.idx.msk [tilespmem:v31+s14+$0x0], $0xffff  }
0x61: {  	s12 =	sshll.u32 s12, $0x7;
	s2 =	sadd.s32 $0xE400, s2;
	[tilespmem:s29+$0x30] =	vst v34;
	v20 =	vld.idx.msk [tilespmem:v20+s14+$0x0], $0xffff  }
0x62: {  	s31 =	sor.u32 s12, s2;
	v31 =	vor.u32 v57, v13;
	[tilespmem:s0+$0x70] =	vst v22;
	v61 =	vld.idx.msk [tilespmem:v23+s14+$0x0], $0xffff  }
0x63: {  	v18 =	vor.u32 v36, v18;
	s19 =	sshll.u32 s13, $0x7;
	v22 =	vld.idx.msk [tilespmem:v27+s14+$0x0], $0xffff;
	[tilespmem:s31+$0x0] =	vst v25  }
0x64: {  	s5 =	sshll.u32 s5, $0x7;
	s12 =	sor.u32 s19, s2;
	v27 =	vor.u32 v36, v19;
	v25 =	vld.idx.msk [tilespmem:v29+s14+$0x0], $0xffff;
	[tilespmem:s11+$0x70] =	vst v24  }
0x65: {  	v60 =	vor.u32 v6, v15;
	s20 =	sshll.u32 s10, $0x7;
	v29 =	vor.u32 v57, v14;
	s11 =	sor.u32 s5, s2;
	v59 =	vld.idx.msk [tilespmem:v58+s14+$0x0], $0xffff;
	[tilespmem:s12+$0x0] =	vst v26  }
0x66: {  	s0 =	sor.u32 s20, s2;
	v26 =	vld.idx.msk [tilespmem:v28+s14+$0x0], $0xffff;
	[tilespmem:s11+$0x0] =	vst v30;
	v28 =	vor.u32 v60, v16  }
0x67: {  	v21 =	vor.u32 v21, v8;
	v63 =	vor.u32 v57, v17;
	[tilespmem:s0+$0x0] =	vst v20;
	v62 =	vld.idx.msk [tilespmem:v31+s14+$0x0], $0xffff  }
0x68: {  	v35 =	vor.u32 v5, v15;
	v31 =	vld.idx.msk [tilespmem:v18+s14+$0x0], $0xffff;
	[tilespmem:s30+$0x60] =	vst v22;
	v22 =	vor.u32 v3, v11  }
0x69: {  	v23 =	vor.u32 v60, v17;
	[tilespmem:s29+$0x40] =	vst v61;
	v30 =	vld.idx.msk [tilespmem:v27+s14+$0x0], $0xffff;
	v33 =	vor.u32 v22, v10  }
0x6a: {  	v19 =	vor.u32 v37, v8;
	v29 =	vld.idx.msk [tilespmem:v29+s14+$0x0], $0xffff;
	v34 =	vor.u32 v22, v9;
	[tilespmem:s31+$0x10] =	vst v59  }
0x6b: {  	v24 =	vor.u32 v60, v14;
	[tilespmem:s26+$0x40] =	vst v25;
	v32 =	vor.u32 v22, v12;
	v27 =	vld.idx.msk [tilespmem:v28+s14+$0x0], $0xffff  }
0x6c: {  	v18 =	vor.u32 v60, v13;
	v20 =	vor.u32 v22, v8;
	[tilespmem:s24+$0x20] =	vst v26;
	v28 =	vld.idx.msk [tilespmem:v63+s14+$0x0], $0xffff  }
0x6d: {  	v22 =	vor.u32 v35, v14;
	v26 =	vor.u32 v35, v16;
	v25 =	vld.idx.msk [tilespmem:v21+s14+$0x0], $0xffff;
	[tilespmem:s12+$0x10] =	vst v62  }
.LBB2_3:
0x6e: {  	s1 =	sadd.s32 $0x4, s1;
	v21 =	vor.u32 v35, v13;
	v35 =	vor.u32 v35, v17;
	v33 =	vld.idx.msk [tilespmem:v33+s14+$0x0], $0xffff;
	[tilespmem:s25+$0x70] =	vst v31;
	s25 =	smov.u32 s26;
	s26 =	smov.u32 s11  }
0x6f: {  	v36 =	vor.u32 v1, v11;
	s2 =	sshrl.u32 s1, $0x3;
	s11 =	sand.u32 $0x4, s1;
	s5 =	sshrl.u32 s1, $0x2;
	v31 =	vld.idx.msk [tilespmem:v34+s14+$0x0], $0xffff;
	v34 =	vor.u32 v2, v11;
	[tilespmem:s30+$0x70] =	vst v30;
	v11 =	vmov v15  }
0x70: {  	s19 =	sshll.u32 s1, $0x7;
	s2 =	sand.u32 $0x3, s2;
	s10 =	sor.u32 $0x1, s11;
	[tilespmem:s26+$0x10] =	vst v29;
	v29 =	vor.u32 v34, v10;
	v30 =	vld.idx.msk [tilespmem:v32+s14+$0x0], $0xffff;
	v32 =	vor.u32 v36, v12  }
0x71: {  	v37 =	vor.u32 v36, v10;
	s20 =	sand.u32 $0x3FFFFFF8, s5;
	s5 =	sor.u32 $0x3, s11;
	v10 =	vmov v16;
	s13 =	sshll.u32 s2, $0x7;
	v24 =	vld.idx.msk [tilespmem:v24+s14+$0x0], $0xffff;
	[tilespmem:s31+$0x20] =	vst v27;
	v27 =	vor.u32 v34, v9  }
0x72: {  	v38 =	vor.u32 v4, v11;
	s15 =	sor.u32 s10, s20;
	s30 =	sor.u32 s23, s13;
	s13 =	sor.u32 $0x2, s11;
	v26 =	vld.idx.msk [tilespmem:v26+s14+$0x0], $0xffff;
	[tilespmem:s24+$0x30] =	vst v25;
	v25 =	vor.u32 v34, v12;
	v12 =	vmov v17  }
0x73: {  	s19 =	sand.u32 $0x3FFFF000, s19;
	s2 =	sshll.u32 s2, $0xA;
	v39 =	vor.u32 v38, v10;
	v16 =	vmov s15;
	s15 =	sor.u32 s5, s20;
	v15 =	vmov s30;
	[tilespmem:s0+$0x10] =	vst v28;
	v19 =	vld.idx.msk [tilespmem:v19+s14+$0x0], $0xffff  }
0x74: {  	s19 =	sor.u32 s19, s2;
	s30 =	sor.u32 s11, s20;
	v16 =	vand.u32 $0x1D, v16;
	s2 =	sor.u32 s13, s20;
	v17 =	vmov s15;
	v15 =	vshll.u32 v15, $0x5;
	v23 =	vld.idx.msk [tilespmem:v23+s14+$0x0], $0xffff;
	[tilespmem:s28+$0x50] =	vst v33  }
0x75: {  	p0 =	slt.u32 s1, $0x7C;
	v40 =	vor.u32 v38, v14;
	v28 =	vmov s30;
	v33 =	vmov s2;
	s30 =	smov.u32 s24;
	s24 =	smov.u32 s12;
	[tilespmem:s25+$0x50] =	vst v31;
	v29 =	vld.idx.msk [tilespmem:v29+s14+$0x0], $0xffff  }
0x76: {  	v16 =	vbroadcast v16, $0x0;
	v31 =	vor.u32 v0, v15;
	v33 =	vand.u32 $0x1E, v33;
	v27 =	vld.idx.msk [tilespmem:v27+s14+$0x0], $0xffff;
	[tilespmem:s29+$0x50] =	vst v30  }
0x77: {  	v17 =	vand.u32 $0x1F, v17;
	v28 =	vand.u32 $0x1C, v28;
	v30 =	vbroadcast v33, $0x0;
	[tilespmem:s26+$0x20] =	vst v24;
	v24 =	vld.idx.msk [tilespmem:v25+s14+$0x0], $0xffff  }
0x78: {  	v17 =	vbroadcast v17, $0x0;
	v25 =	vbroadcast v28, $0x0;
	v28 =	vor.u32 v31, v16;
	v22 =	vld.idx.msk [tilespmem:v22+s14+$0x0], $0xffff;
	[tilespmem:s31+$0x30] =	vst v26  }
0x79: {  	v26 =	vor.u32 v31, v30;
	v33 =	vld.idx.msk [tilespmem:v39+s14+$0x0], $0xffff;
	v39 =	vor.u32 v38, v12;
	[tilespmem:s30+$0x40] =	vst v19  }
0x7a: {  	v41 =	vor.u32 v31, v25;
	v31 =	vor.u32 v31, v17;
	[tilespmem:s0+$0x20] =	vst v23;
	v20 =	vld.idx.msk [tilespmem:v20+s14+$0x0], $0xffff  }
0x7b: {  	v19 =	vor.u32 v38, v13;
	v23 =	vld.idx.msk [tilespmem:v35+s14+$0x0], $0xffff;
	[tilespmem:s28+$0x60] =	vst v29;
	v29 =	vor.u32 v34, v8  }
0x7c: {  	v35 =	vor.u32 v36, v8;
	v8 =	vmov v13;
	[tilespmem:s25+$0x60] =	vst v27;
	v27 =	vor.u32 v36, v9;
	v34 =	vld.idx.msk [tilespmem:v37+s14+$0x0], $0xffff  }
0x7d: {  	v13 =	vmovc v30;
	v36 =	vor.u32 v7, v15;
	v9 =	vmov v14;
	v14 =	vmov v25;
	v28 =	vld.idx.msk [tilespmem:v28+s14+$0x0], $0xffff;
	[tilespmem:s29+$0x60] =	vst v24  }
0x7e: {  	v25 =	vor.u32 v36, v14;
	v30 =	vor.u32 v36, v13;
	[tilespmem:s26+$0x30] =	vst v22;
	v22 =	vld.idx.msk [tilespmem:v32+s14+$0x0], $0xffff  }
0x7f: {  	v24 =	vor.u32 v36, v16;
	v26 =	vld.idx.msk [tilespmem:v26+s14+$0x0], $0xffff;
	[tilespmem:s31+$0x40] =	vst v33  }
0x80: {  	s10 =	sshll.u32 s10, $0x7;
	s11 =	sshll.u32 s11, $0x7;
	s2 =	sadd.s32 $0xE400, s19;
	v32 =	vld.idx.msk [tilespmem:v41+s14+$0x0], $0xffff;
	[tilespmem:s30+$0x50] =	vst v20  }
0x81: {  	s12 =	sshll.u32 s13, $0x7;
	s11 =	sor.u32 s11, s2;
	s10 =	sor.u32 s10, s2;
	v36 =	vor.u32 v36, v17;
	v20 =	vld.idx.msk [tilespmem:v31+s14+$0x0], $0xffff;
	[tilespmem:s0+$0x30] =	vst v23  }
0x82: {  	s12 =	sor.u32 s12, s2;
	[tilespmem:s28+$0x70] =	vst v34;
	v29 =	vld.idx.msk [tilespmem:v29+s14+$0x0], $0xffff;
	s28 =	smov.u32 s31;
	s31 =	smov.u32 s10  }
0x83: {  	s5 =	sshll.u32 s5, $0x7;
	[tilespmem:s31+$0x0] =	vst v28;
	v28 =	vld.idx.msk [tilespmem:v40+s14+$0x0], $0xffff  }
0x84: {  	v34 =	vld.idx.msk [tilespmem:v24+s14+$0x0], $0xffff;
	[tilespmem:s29+$0x70] =	vst v22;
	s29 =	smov.u32 s0;
	s0 =	sor.u32 s5, s2  }
0x85: {  	v22 =	vor.u32 v6, v15;
	[tilespmem:s12+$0x0] =	vst v26;
	v26 =	vld.idx.msk [tilespmem:v18+s14+$0x0], $0xffff  }
0x86: {  	v24 =	vor.u32 v22, v14;
	[tilespmem:s11+$0x0] =	vst v32;
	v32 =	vor.u32 v22, v16;
	v37 =	vld.idx.msk [tilespmem:v39+s14+$0x0], $0xffff  }
0x87: {  	v18 =	vor.u32 v22, v13;
	v23 =	vor.u32 v22, v17;
	v38 =	vld.idx.msk [tilespmem:v30+s14+$0x0], $0xffff;
	[tilespmem:s0+$0x0] =	vst v20  }
0x88: {  	v22 =	vor.u32 v3, v11;
	v31 =	vld.idx.msk [tilespmem:v27+s14+$0x0], $0xffff;
	[tilespmem:s30+$0x60] =	vst v29  }
.Ltmp0:
0x89: {  	v33 =	vor.u32 v22, v10;
	v20 =	vor.u32 v22, v8;
	[tilespmem:s26+$0x40] =	vst v28;
	v30 =	vld.idx.msk [tilespmem:v35+s14+$0x0], $0xffff;
	(pc) =	sbr.rel @p0 .LBB2_3-.Ltmp0, $4  }
0x8a: {  	v29 =	vld.idx.msk [tilespmem:v25+s14+$0x0], $0xffff;
	[tilespmem:s31+$0x10] =	vst v34;
	v34 =	vor.u32 v22, v9  }
0x8b: {  	v27 =	vld.idx.msk [tilespmem:v32+s14+$0x0], $0xffff;
	[tilespmem:s24+$0x20] =	vst v26;
	v32 =	vor.u32 v22, v12  }
0x8c: {  	v35 =	vor.u32 v5, v15;
	v25 =	vld.idx.msk [tilespmem:v21+s14+$0x0], $0xffff;
	[tilespmem:s29+$0x40] =	vst v37  }
0x8d: {  	v22 =	vor.u32 v35, v14;
	v26 =	vor.u32 v35, v16;
	[tilespmem:s12+$0x10] =	vst v38;
	v28 =	vld.idx.msk [tilespmem:v36+s14+$0x0], $0xffff  }
0x8e: {  	_ =	sdelay $0x2  }
0x8f: {  	[tilespmem:s25+$0x70] =	vst v31  }
0x90: {  	v21 =	vld.idx.msk [tilespmem:v33+s14+$0x0], $0xffff;
	[tilespmem:s30+$0x70] =	vst v30  }
0x91: {  	v52 =	vld.idx.msk [tilespmem:v34+s14+$0x0], $0xffff;
	[tilespmem:s11+$0x10] =	vst v29  }
0x92: {  	v53 =	vor.u32 v2, v11;
	v54 =	vld.idx.msk [tilespmem:v32+s14+$0x0], $0xffff;
	[tilespmem:s31+$0x20] =	vst v27  }
0x93: {  	v18 =	vld.idx.msk [tilespmem:v18+s14+$0x0], $0xffff;
	v55 =	vor.u32 v53, v10;
	[tilespmem:s0+$0x10] =	vst v28  }
0x94: {  	v57 =	vor.u32 v35, v13;
	[tilespmem:s24+$0x30] =	vst v25;
	v23 =	vld.idx.msk [tilespmem:v23+s14+$0x0], $0xffff  }
0x95: {  	v56 =	vor.u32 v35, v17;
	v24 =	vld.idx.msk [tilespmem:v24+s14+$0x0], $0xffff;
	[tilespmem:s28+$0x50] =	vst v21  }
0x96: {  	v58 =	vld.idx.msk [tilespmem:v26+s14+$0x0], $0xffff;
	[tilespmem:s26+$0x50] =	vst v52  }
0x97: {  	v59 =	vor.u32 v53, v9;
	v19 =	vld.idx.msk [tilespmem:v19+s14+$0x0], $0xffff;
	[tilespmem:s29+$0x50] =	vst v54  }
0x98: {  	v60 =	vor.u32 v4, v15;
	v61 =	vor.u32 v53, v12;
	[tilespmem:s12+$0x20] =	vst v18;
	v28 =	vld.idx.msk [tilespmem:v55+s14+$0x0], $0xffff  }
0x99: {  	v62 =	vor.u32 v60, v16;
	v21 =	vld.idx.msk [tilespmem:v57+s14+$0x0], $0xffff;
	[tilespmem:s0+$0x20] =	vst v23  }
0x9a: {  	v35 =	vor.u32 v60, v13;
	[tilespmem:s11+$0x20] =	vst v24;
	v63 =	vld.idx.msk [tilespmem:v56+s14+$0x0], $0xffff  }
0x9b: {  	v32 =	vor.u32 v60, v17;
	v22 =	vld.idx.msk [tilespmem:v22+s14+$0x0], $0xffff;
	[tilespmem:s31+$0x30] =	vst v58  }
0x9c: {  	v33 =	vor.u32 v60, v14;
	v34 =	vld.idx.msk [tilespmem:v59+s14+$0x0], $0xffff;
	[tilespmem:s24+$0x40] =	vst v19  }
0x9d: {  	v36 =	vor.u32 v1, v11;
	v37 =	vld.idx.msk [tilespmem:v61+s14+$0x0], $0xffff;
	[tilespmem:s28+$0x60] =	vst v28  }
0x9e: {  	v39 =	vor.u32 v3, v15;
	v38 =	vor.u32 v36, v10;
	v23 =	vld.idx.msk [tilespmem:v62+s14+$0x0], $0xffff;
	[tilespmem:s12+$0x30] =	vst v21  }
0x9f: {  	v41 =	vor.u32 v39, v16;
	v19 =	vld.idx.msk [tilespmem:v35+s14+$0x0], $0xffff;
	[tilespmem:s0+$0x30] =	vst v63  }
0xa0: {  	v24 =	vor.u32 v39, v13;
	[tilespmem:s11+$0x30] =	vst v22;
	v40 =	vld.idx.msk [tilespmem:v32+s14+$0x0], $0xffff  }
0xa1: {  	v42 =	vor.u32 v39, v17;
	[tilespmem:s26+$0x60] =	vst v34;
	v18 =	vld.idx.msk [tilespmem:v33+s14+$0x0], $0xffff  }
0xa2: {  	v43 =	vor.u32 v39, v14;
	v20 =	vld.idx.msk [tilespmem:v20+s14+$0x0], $0xffff;
	[tilespmem:s29+$0x60] =	vst v37  }
0xa3: {  	v44 =	vor.u32 v36, v12;
	v10 =	vld.idx.msk [tilespmem:v38+s14+$0x0], $0xffff;
	[tilespmem:s31+$0x40] =	vst v23  }
0xa4: {  	v47 =	vor.u32 v2, v15;
	v45 =	vor.u32 v53, v8;
	v46 =	vld.idx.msk [tilespmem:v41+s14+$0x0], $0xffff;
	[tilespmem:s12+$0x40] =	vst v19  }
0xa5: {  	v48 =	vor.u32 v47, v16;
	v52 =	vld.idx.msk [tilespmem:v24+s14+$0x0], $0xffff;
	[tilespmem:s0+$0x40] =	vst v40  }
0xa6: {  	v53 =	vor.u32 v47, v13;
	[tilespmem:s11+$0x40] =	vst v18;
	v49 =	vld.idx.msk [tilespmem:v42+s14+$0x0], $0xffff  }
0xa7: {  	v50 =	vor.u32 v47, v17;
	[tilespmem:s24+$0x50] =	vst v20;
	v21 =	vld.idx.msk [tilespmem:v43+s14+$0x0], $0xffff  }
0xa8: {  	v51 =	vor.u32 v47, v14;
	v12 =	vld.idx.msk [tilespmem:v44+s14+$0x0], $0xffff;
	[tilespmem:s28+$0x70] =	vst v10  }
0xa9: {  	v54 =	vor.u32 v36, v9;
	v23 =	vld.idx.msk [tilespmem:v45+s14+$0x0], $0xffff;
	[tilespmem:s31+$0x50] =	vst v46  }
0xaa: {  	v8 =	vor.u32 v36, v8;
	v55 =	vor.u32 v1, v15;
	v56 =	vld.idx.msk [tilespmem:v48+s14+$0x0], $0xffff;
	[tilespmem:s12+$0x50] =	vst v52  }
0xab: {  	v57 =	vor.u32 v55, v16;
	v10 =	vld.idx.msk [tilespmem:v53+s14+$0x0], $0xffff;
	[tilespmem:s0+$0x50] =	vst v49  }
0xac: {  	v11 =	vor.u32 v55, v13;
	[tilespmem:s11+$0x50] =	vst v21;
	v58 =	vld.idx.msk [tilespmem:v50+s14+$0x0], $0xffff  }
0xad: {  	v59 =	vor.u32 v55, v17;
	[tilespmem:s29+$0x70] =	vst v12;
	v19 =	vld.idx.msk [tilespmem:v51+s14+$0x0], $0xffff  }
0xae: {  	v60 =	vor.u32 v55, v14;
	v9 =	vld.idx.msk [tilespmem:v54+s14+$0x0], $0xffff;
	[tilespmem:s24+$0x60] =	vst v23  }
0xaf: {  	v8 =	vld.idx.msk [tilespmem:v8+s14+$0x0], $0xffff;
	[tilespmem:s31+$0x60] =	vst v56  }
0xb0: {  	v61 =	vld.idx.msk [tilespmem:v57+s14+$0x0], $0xffff;
	[tilespmem:s12+$0x60] =	vst v10  }
0xb1: {  	v63 =	vld.idx.msk [tilespmem:v11+s14+$0x0], $0xffff;
	[tilespmem:s0+$0x60] =	vst v58  }
0xb2: {  	[tilespmem:s11+$0x60] =	vst v19;
	v62 =	vld.idx.msk [tilespmem:v59+s14+$0x0], $0xffff  }
0xb3: {  	[tilespmem:s26+$0x70] =	vst v9;
	v12 =	vld.idx.msk [tilespmem:v60+s14+$0x0], $0xffff  }
0xb4: {  	[tilespmem:s24+$0x70] =	vst v8  }
0xb5: {  	[tilespmem:s31+$0x70] =	vst v61  }
0xb6: {  	s29 =	sshll.u32 s22, $0x10;
	[tilespmem:s12+$0x70] =	vst v63  }
0xb7: {  	s1 =	rddreg [dreg:$0x1];
	[tilespmem:s0+$0x70] =	vst v62;
	s0 =	sor.u32 s6, s29  }
0xb8: {  	s2 =	simm.s32 $0xE400;
	[tilespmem:s11+$0x70] =	vst v12;
	s1 =	sadd.s32 s1, s0  }
0xb9: {  	[hbm4b:s1+s3] =	stream.linear.scatter [tilespmem:s2], [sflag:$0x3], $0x1000, $0x38;
	[tilespmem:$0x12400] =	vst v63  }
0xba: {  	p0 =	sne.s32 s21, $0x32;
	s30 =	sadd.s32 s0, s7  }
0xbb: {  	[hbm4b:s30+s3] =	stream.linear.scatter [tilespmem:s16], [sflag:$0x3], $0x1000, $0x38;
	[tilespmem:$0x12400] =	vst v63  }
.Ltmp1:
0xbc: {  	_ = 	snop;
	(pc) =	sbr.rel @p0 .LBB2_2-.Ltmp1, $4  }
0xbd: {  	s31 =	sadd.s32 s0, s8  }
0xbe: {  	[hbm4b:s31+s3] =	stream.linear.scatter [tilespmem:s17], [sflag:$0x3], $0x1000, $0x38;
	[tilespmem:$0x12400] =	vst v63  }
0xbf: {  	s22 =	smov.u32 s21;
	s0 =	sadd.s32 s0, s9  }
0xc0: {  	[hbm4b:s0+s3] =	stream.linear.scatter [tilespmem:s18], [sflag:$0x3], $0x1000, $0x38;
	[tilespmem:$0x12400] =	vst v63  }
0xc1: {  	s1 =	simm.s32 $0x3  }
0xc2: {  	_ =	swait.ge [sflag:s1], $0x1000  }
0xc3: {  	[sflag:s1] =	ssyncset.done $0x0  }
0xc4: {  	[sflag:s1] =	ssyncadd.s32 $0xFFFFF000  }
0xc5: {  	_ =	swait.ge [sflag:s1], $0x1000  }
0xc6: {  	[sflag:s1] =	ssyncset.done $0x0  }
0xc7: {  	[sflag:s1] =	ssyncadd.s32 $0xFFFFF000  }
0xc8: {  	_ =	swait.ge [sflag:s1], $0x1000  }
0xc9: {  	[sflag:s1] =	ssyncset.done $0x0  }
0xca: {  	[sflag:s1] =	ssyncadd.s32 $0xFFFFF000  }
0xcb: {  	_ =	swait.ge [sflag:s1], $0x1000  }
0xcc: {  	s2 =	rddreg [dreg:$0x5]  }
0xcd: {  	s0 =	rddreg [dreg:$0x4];
	s2 =	sadd.s32 $0x1, s2  }
0xce: {  	p0 =	sne.s32 s2, s0  }
.Ltmp2:
0xcf: {  	_ = 	snop;
	(pc) =	sbr.rel @p0 .LBB2_1-.Ltmp2, $3  }
0xd0: {  	_ =	sdelay $0x1  }
0xd1: {  	[sflag:s1] =	ssyncset.done $0x0  }
0xd2: {  	[sflag:s1] =	ssyncadd.s32 $0xFFFFF000  }
0xd3: {  	_ =	sfence.sel $0x180000  }
0xd4: {  	[bflag:$0x0] =	sbarrier.arrive $0xFFFF  }
0xd5: {  	_ =	strace $0x90000047  }
0xd6: {  	s0 =	stileid.u32;
	[bflag:$0x2] =	sbarrier.arrive $0xFFFF  }
0xd7: {  	p0 =	sne.s32 s0, $0x0;
	s0 =	rddreg [dreg:$0x2]  }
0xd8: {  	s0 =	sadd.s32 @!p0 $0x100000, s0  }
0xd9: {  	[sflag:s0] =	ssyncadd.tile.s32 @!p0 $0x1;
	_ =	shalt  }
.Lfunc_end2:
_tile_overlayer_lowered:
.L_overlay_start_2:
0xda: {  	(tag) =	ssettag $0x2  }
0xdb: {  	s0 =	rddreg [dreg:$0x0];
	s2 =	stileid.u32  }
0xdc: {  	s1 =	rddreg [dreg:$0x1];
	p0 =	sne.s32 s2, $0x0  }
0xdd: {  	s3 =	rddreg [dreg:$0x2];
	[bflag:$0x3] =	sbarrier.arrive $0xFFFF;
	s2 =	simm.s32 @!p0 $0x1C04  }
0xde: {  	[timem:s3], [sflag:s2] =	dma.local @!p0 [hbm:s0], s1  }
0xdf: {  	s0 =	simm.s32 @!p0 $0x4  }
0xe0: {  	_ =	swait.ge @!p0 [sflag:s0], s1  }
0xe1: {  	s1 =	ssub.s32 @!p0 $0x0, s1;
	[sflag:s0] =	ssyncset.done @!p0 $0x0  }
0xe2: {  	[sflag:s0] =	ssyncadd.s32 @!p0 s1  }
0xe3: {  	[bflag:$0x3] =	sbarrier.arrive $0xFFFF  }
0xe4: {  	_ =	shalt  }

</sc_bundles>
